<compile_context>
chip_gen: v7x
topology: tpu7x:2x2x1
jax: 0.10.2.dev20260603
libtpu: 0.0.44.dev20260713+nightly
codegen_flags: <defaults>
</compile_context>

<pallas_src>
import functools

import jax
import jax.numpy as jnp
from jax import lax
from jax.experimental import pallas as pl
from jax.experimental.pallas import tpu as pltpu
from jax.experimental.pallas import tpu_sc as plsc

VOCAB_SIZE = 1000000
EMBED_SIZE = 64
BATCH = 16384
SEQ_LEN = 200

_INFO = plsc.get_sparse_core_info()
NC = _INFO.num_cores
NS = _INFO.num_subcores
NW = NC * NS
LANE = 128

JPW = (BATCH // LANE) // NW
SGRP = 8
NGRP = SEQ_LEN // SGRP
BPG = SGRP * JPW
RING = 8


def _sc_gather(idx4, table):
    mesh = plsc.VectorSubcoreMesh(core_axis_name="c", subcore_axis_name="s")

    @functools.partial(
        pl.kernel,
        mesh=mesh,
        out_type=jax.ShapeDtypeStruct((SEQ_LEN, 8, 128, 8, 128), jnp.float32),
        scratch_types=[
            pltpu.VMEM((JPW, SGRP, LANE), jnp.int32),
            pltpu.VMEM((RING * LANE, EMBED_SIZE), jnp.float32),
            pltpu.VMEM((8, 8, 129), jnp.float32),
            pltpu.VMEM((8, 8, 129), jnp.float32),
            pltpu.SemaphoreType.DMA,
            pltpu.SemaphoreType.DMA,
        ],
        compiler_params=pltpu.CompilerParams(
            use_tc_tiling_on_sc=False,
            needs_layout_passes=False,
            disable_bounds_checks=True,
        ),
    )
    def body(idx_hbm, table_hbm, out_hbm, idx_v, rows_v, tiles_a, tiles_b, gsem, osem):
        wid = lax.axis_index("s") * NC + lax.axis_index("c")
        j0 = wid * JPW
        lanes = lax.iota(jnp.int32, 16)
        dhi_c = [(16 * k + lanes) // 8 for k in range(4)]
        dlo_c = [lax.rem(16 * k + lanes, 8) for k in range(4)]
        tiles_refs = (tiles_a, tiles_b)

        def fire(n):
            jq = lax.rem(n, JPW)
            h = n // JPW
            slot = lax.rem(n, RING)
            pltpu.async_copy(
                table_hbm.at[idx_v.at[jq, h]],
                rows_v.at[pl.ds(slot * LANE, LANE)],
                gsem,
            )

        def group(m, cnt):
            pltpu.sync_copy(idx_hbm.at[m, pl.ds(j0, JPW)], idx_v)
            for n in range(RING):
                fire(n)

            def pair(p, c2):
                for q in range(2):
                    n = p * 2 + q
                    ncur = c2 + q
                    jq = lax.rem(n, JPW)
                    h = n // JPW
                    s = m * SGRP + h
                    J = j0 + jq
                    pltpu.make_async_copy(
                        table_hbm.at[idx_v.at[0, 0]],
                        rows_v.at[pl.ds(0, LANE)],
                        gsem,
                    ).wait()

                    @pl.when(ncur >= 2)
                    def _():
                        pltpu.make_async_copy(
                            tiles_a.at[:, :, pl.ds(0, 128)],
                            out_hbm.at[0, :, 0],
                            osem,
                        ).wait()

                    slot = lax.rem(n, RING)
                    tl = tiles_refs[q]
                    rblk = rows_v.at[pl.ds(slot * LANE, LANE)]

                    @plsc.parallel_loop(0, LANE, unroll=8)
                    def tstep(t):
                        col_t = jnp.full((16,), t, jnp.int32)
                        for k in range(4):
                            v = rblk[t, pl.ds(k * 16, 16)]
                            plsc.store_scatter(
                                tl, [dhi_c[k], dlo_c[k], col_t], v
                            )

                    pltpu.async_copy(
                        tl.at[:, :, pl.ds(0, 128)], out_hbm.at[s, :, J], osem
                    )

                    @pl.when(n < BPG - RING)
                    def _():
                        fire(n + RING)
                return c2 + 2

            return lax.fori_loop(0, BPG // 2, pair, cnt)

        lax.fori_loop(0, NGRP, group, 0)

        for _ in range(2):
            pltpu.make_async_copy(
                tiles_a.at[:, :, pl.ds(0, 128)], out_hbm.at[0, :, 0], osem
            ).wait()

    return body(idx4, table)


def kernel(input, embeddings):
    idx4 = jnp.transpose(
        jnp.reshape(input.astype(jnp.int32), (128, 128, 25, 8)),
        (2, 0, 3, 1),
    )
    out5 = _sc_gather(idx4, embeddings)
    out = jnp.transpose(out5, (2, 4, 0, 1, 3))
    return jnp.reshape(out, (BATCH, SEQ_LEN, EMBED_SIZE))

# --- scband reference (transcript-rebuilt; emitter-appended) ---
"""Pipeline reference for scband-embedding-lockup-39737037422989 (READ-ONLY COPY).

The authoritative reference and input builder live on the scoring server;
editing this copy changes nothing except your own understanding.
"""

import jax, jax.numpy as jnp
import numpy as np

VOCAB_SIZE = 1000000
EMBED_SIZE = 64
BATCH = 16384
SEQ_LEN = 200

def setup_inputs(seed: int = 0) -> dict:
    key = jax.random.key(seed)
    k1, k2 = jax.random.split(key)
    input_ids = jax.random.randint(k1, (BATCH, SEQ_LEN), 0, VOCAB_SIZE, dtype=jnp.int64 if jax.config.jax_enable_x64 else jnp.int32)
    embeddings = jax.random.normal(k2, (VOCAB_SIZE, EMBED_SIZE), dtype=jnp.float32)
    return {"input": input_ids, "embeddings": embeddings}

def reference(input, embeddings):
    # Faithful translation of nn.Embedding lookup:
    # output[b, s, :] = embeddings[input[b, s], :]
    return jnp.take(embeddings, input, axis=0)

if __name__ == "__main__":
    import jax
    _d = setup_inputs()
    print(jax.jit(kernel)(*tuple(_d.values())))

</pallas_src>

<mosaic_0001>
#map = affine_map<(d0, d1) -> (0, 0, 0, 0)>
#map1 = affine_map<(d0, d1) -> (0, 0)>
#map2 = affine_map<(d0, d1) -> (0, 0, 0, 0, 0)>
module attributes {stable_mosaic.version = 14 : i64} {
  func.func @body(%arg0: i32, %arg1: i32, %arg2: memref<25x128x8x128xi32, #tpu.memory_space<hbm>>, %arg3: memref<1000000x64xf32, #tpu.memory_space<hbm>>, %arg4: memref<200x8x128x8x128xf32, #tpu.memory_space<hbm>>, %arg5: memref<4x8x128xi32, #tpu.memory_space<vmem>>, %arg6: memref<1024x64xf32, #tpu.memory_space<vmem>>, %arg7: memref<8x8x129xf32, #tpu.memory_space<vmem>>, %arg8: memref<8x8x129xf32, #tpu.memory_space<vmem>>, %arg9: memref<!tpu.dma_semaphore, #tpu.memory_space<semaphore_mem>>, %arg10: memref<!tpu.dma_semaphore, #tpu.memory_space<semaphore_mem>>) attributes {dimension_semantics = [#tpu.dimension_semantics<core_parallel>, #tpu.dimension_semantics<subcore_parallel>], iteration_bounds = array<i64: 2, 16>, scalar_prefetch = 0 : i64, scratch_operands = 6 : i64, tpu.core_type = #tpu.core_type<sc_vector_subcore>, window_params = [{transform_indices = #map}, {transform_indices = #map1}, {transform_indices = #map2}]} {
    %mul3A = arith.constant 2 : i32
    %mul3A_0 = arith.muli %arg1, %mul3A : i32
    %add3A = arith.addi %mul3A_0, %arg0 : i32
    %mul3A_1 = arith.constant 4 : i32
    %mul3A_2 = arith.muli %add3A, %mul3A_1 : i32
    %iota3A = tpu.iota {dimensions = array<i32: 0>} : vector<16xi32>
    %add3A_3 = arith.constant 0 : i32
    %add3A_4 = vector.broadcast %add3A_3 : i32 to vector<16xi32>
    %add3A_5 = arith.addi %add3A_4, %iota3A : vector<16xi32>
    %jit3A = arith.constant 8 : i32
    %div3A = vector.broadcast %jit3A : i32 to vector<16xi32>
    %div3A_6 = arith.divsi %add3A_5, %div3A : vector<16xi32>
    %sign3A = arith.constant 0 : i32
    %sign3A_7 = vector.broadcast %sign3A : i32 to vector<16xi32>
    %sign3A_8 = arith.cmpi sgt, %add3A_5, %sign3A_7 : vector<16xi32>
    %sign3A_9 = arith.extui %sign3A_8 : vector<16xi1> to vector<16xi32>
    %sign3A_10 = arith.constant 0 : i32
    %sign3A_11 = vector.broadcast %sign3A_10 : i32 to vector<16xi32>
    %sign3A_12 = arith.cmpi slt, %add3A_5, %sign3A_11 : vector<16xi32>
    %sign3A_13 = arith.extui %sign3A_12 : vector<16xi1> to vector<16xi32>
    %sign3A_14 = arith.subi %sign3A_9, %sign3A_13 : vector<16xi32>
    %sign3A_15 = arith.constant 0 : i32
    %sign3A_16 = arith.cmpi sgt, %jit3A, %sign3A_15 : i32
    %sign3A_17 = arith.extui %sign3A_16 : i1 to i32
    %sign3A_18 = arith.constant 0 : i32
    %sign3A_19 = arith.cmpi slt, %jit3A, %sign3A_18 : i32
    %sign3A_20 = arith.extui %sign3A_19 : i1 to i32
    %sign3A_21 = arith.subi %sign3A_17, %sign3A_20 : i32
    %ne3A = vector.broadcast %sign3A_21 : i32 to vector<16xi32>
    %ne3A_22 = arith.cmpi ne, %sign3A_14, %ne3A : vector<16xi32>
    %rem3A = vector.broadcast %jit3A : i32 to vector<16xi32>
    %rem3A_23 = arith.remsi %add3A_5, %rem3A : vector<16xi32>
    %ne3A_24 = arith.constant 0 : i32
    %ne3A_25 = vector.broadcast %ne3A_24 : i32 to vector<16xi32>
    %ne3A_26 = arith.cmpi ne, %rem3A_23, %ne3A_25 : vector<16xi32>
    %and3A = arith.andi %ne3A_22, %ne3A_26 : vector<16xi1>
    %sub3A = arith.constant 1 : i32
    %sub3A_27 = vector.broadcast %sub3A : i32 to vector<16xi32>
    %sub3A_28 = arith.subi %div3A_6, %sub3A_27 : vector<16xi32>
    %select_n3A = arith.select %and3A, %sub3A_28, %div3A_6 : vector<16xi1>, vector<16xi32>
    %add3A_29 = arith.constant 16 : i32
    %add3A_30 = vector.broadcast %add3A_29 : i32 to vector<16xi32>
    %add3A_31 = arith.addi %add3A_30, %iota3A : vector<16xi32>
    %jit3A_32 = arith.constant 8 : i32
    %div3A_33 = vector.broadcast %jit3A_32 : i32 to vector<16xi32>
    %div3A_34 = arith.divsi %add3A_31, %div3A_33 : vector<16xi32>
    %sign3A_35 = arith.constant 0 : i32
    %sign3A_36 = vector.broadcast %sign3A_35 : i32 to vector<16xi32>
    %sign3A_37 = arith.cmpi sgt, %add3A_31, %sign3A_36 : vector<16xi32>
    %sign3A_38 = arith.extui %sign3A_37 : vector<16xi1> to vector<16xi32>
    %sign3A_39 = arith.constant 0 : i32
    %sign3A_40 = vector.broadcast %sign3A_39 : i32 to vector<16xi32>
    %sign3A_41 = arith.cmpi slt, %add3A_31, %sign3A_40 : vector<16xi32>
    %sign3A_42 = arith.extui %sign3A_41 : vector<16xi1> to vector<16xi32>
    %sign3A_43 = arith.subi %sign3A_38, %sign3A_42 : vector<16xi32>
    %sign3A_44 = arith.constant 0 : i32
    %sign3A_45 = arith.cmpi sgt, %jit3A_32, %sign3A_44 : i32
    %sign3A_46 = arith.extui %sign3A_45 : i1 to i32
    %sign3A_47 = arith.constant 0 : i32
    %sign3A_48 = arith.cmpi slt, %jit3A_32, %sign3A_47 : i32
    %sign3A_49 = arith.extui %sign3A_48 : i1 to i32
    %sign3A_50 = arith.subi %sign3A_46, %sign3A_49 : i32
    %ne3A_51 = vector.broadcast %sign3A_50 : i32 to vector<16xi32>
    %ne3A_52 = arith.cmpi ne, %sign3A_43, %ne3A_51 : vector<16xi32>
    %rem3A_53 = vector.broadcast %jit3A_32 : i32 to vector<16xi32>
    %rem3A_54 = arith.remsi %add3A_31, %rem3A_53 : vector<16xi32>
    %ne3A_55 = arith.constant 0 : i32
    %ne3A_56 = vector.broadcast %ne3A_55 : i32 to vector<16xi32>
    %ne3A_57 = arith.cmpi ne, %rem3A_54, %ne3A_56 : vector<16xi32>
    %and3A_58 = arith.andi %ne3A_52, %ne3A_57 : vector<16xi1>
    %sub3A_59 = arith.constant 1 : i32
    %sub3A_60 = vector.broadcast %sub3A_59 : i32 to vector<16xi32>
    %sub3A_61 = arith.subi %div3A_34, %sub3A_60 : vector<16xi32>
    %select_n3A_62 = arith.select %and3A_58, %sub3A_61, %div3A_34 : vector<16xi1>, vector<16xi32>
    %add3A_63 = arith.constant 32 : i32
    %add3A_64 = vector.broadcast %add3A_63 : i32 to vector<16xi32>
    %add3A_65 = arith.addi %add3A_64, %iota3A : vector<16xi32>
    %jit3A_66 = arith.constant 8 : i32
    %div3A_67 = vector.broadcast %jit3A_66 : i32 to vector<16xi32>
    %div3A_68 = arith.divsi %add3A_65, %div3A_67 : vector<16xi32>
    %sign3A_69 = arith.constant 0 : i32
    %sign3A_70 = vector.broadcast %sign3A_69 : i32 to vector<16xi32>
    %sign3A_71 = arith.cmpi sgt, %add3A_65, %sign3A_70 : vector<16xi32>
    %sign3A_72 = arith.extui %sign3A_71 : vector<16xi1> to vector<16xi32>
    %sign3A_73 = arith.constant 0 : i32
    %sign3A_74 = vector.broadcast %sign3A_73 : i32 to vector<16xi32>
    %sign3A_75 = arith.cmpi slt, %add3A_65, %sign3A_74 : vector<16xi32>
    %sign3A_76 = arith.extui %sign3A_75 : vector<16xi1> to vector<16xi32>
    %sign3A_77 = arith.subi %sign3A_72, %sign3A_76 : vector<16xi32>
    %sign3A_78 = arith.constant 0 : i32
    %sign3A_79 = arith.cmpi sgt, %jit3A_66, %sign3A_78 : i32
    %sign3A_80 = arith.extui %sign3A_79 : i1 to i32
    %sign3A_81 = arith.constant 0 : i32
    %sign3A_82 = arith.cmpi slt, %jit3A_66, %sign3A_81 : i32
    %sign3A_83 = arith.extui %sign3A_82 : i1 to i32
    %sign3A_84 = arith.subi %sign3A_80, %sign3A_83 : i32
    %ne3A_85 = vector.broadcast %sign3A_84 : i32 to vector<16xi32>
    %ne3A_86 = arith.cmpi ne, %sign3A_77, %ne3A_85 : vector<16xi32>
    %rem3A_87 = vector.broadcast %jit3A_66 : i32 to vector<16xi32>
    %rem3A_88 = arith.remsi %add3A_65, %rem3A_87 : vector<16xi32>
    %ne3A_89 = arith.constant 0 : i32
    %ne3A_90 = vector.broadcast %ne3A_89 : i32 to vector<16xi32>
    %ne3A_91 = arith.cmpi ne, %rem3A_88, %ne3A_90 : vector<16xi32>
    %and3A_92 = arith.andi %ne3A_86, %ne3A_91 : vector<16xi1>
    %sub3A_93 = arith.constant 1 : i32
    %sub3A_94 = vector.broadcast %sub3A_93 : i32 to vector<16xi32>
    %sub3A_95 = arith.subi %div3A_68, %sub3A_94 : vector<16xi32>
    %select_n3A_96 = arith.select %and3A_92, %sub3A_95, %div3A_68 : vector<16xi1>, vector<16xi32>
    %add3A_97 = arith.constant 48 : i32
    %add3A_98 = vector.broadcast %add3A_97 : i32 to vector<16xi32>
    %add3A_99 = arith.addi %add3A_98, %iota3A : vector<16xi32>
    %jit3A_100 = arith.constant 8 : i32
    %div3A_101 = vector.broadcast %jit3A_100 : i32 to vector<16xi32>
    %div3A_102 = arith.divsi %add3A_99, %div3A_101 : vector<16xi32>
    %sign3A_103 = arith.constant 0 : i32
    %sign3A_104 = vector.broadcast %sign3A_103 : i32 to vector<16xi32>
    %sign3A_105 = arith.cmpi sgt, %add3A_99, %sign3A_104 : vector<16xi32>
    %sign3A_106 = arith.extui %sign3A_105 : vector<16xi1> to vector<16xi32>
    %sign3A_107 = arith.constant 0 : i32
    %sign3A_108 = vector.broadcast %sign3A_107 : i32 to vector<16xi32>
    %sign3A_109 = arith.cmpi slt, %add3A_99, %sign3A_108 : vector<16xi32>
    %sign3A_110 = arith.extui %sign3A_109 : vector<16xi1> to vector<16xi32>
    %sign3A_111 = arith.subi %sign3A_106, %sign3A_110 : vector<16xi32>
    %sign3A_112 = arith.constant 0 : i32
    %sign3A_113 = arith.cmpi sgt, %jit3A_100, %sign3A_112 : i32
    %sign3A_114 = arith.extui %sign3A_113 : i1 to i32
    %sign3A_115 = arith.constant 0 : i32
    %sign3A_116 = arith.cmpi slt, %jit3A_100, %sign3A_115 : i32
    %sign3A_117 = arith.extui %sign3A_116 : i1 to i32
    %sign3A_118 = arith.subi %sign3A_114, %sign3A_117 : i32
    %ne3A_119 = vector.broadcast %sign3A_118 : i32 to vector<16xi32>
    %ne3A_120 = arith.cmpi ne, %sign3A_111, %ne3A_119 : vector<16xi32>
    %rem3A_121 = vector.broadcast %jit3A_100 : i32 to vector<16xi32>
    %rem3A_122 = arith.remsi %add3A_99, %rem3A_121 : vector<16xi32>
    %ne3A_123 = arith.constant 0 : i32
    %ne3A_124 = vector.broadcast %ne3A_123 : i32 to vector<16xi32>
    %ne3A_125 = arith.cmpi ne, %rem3A_122, %ne3A_124 : vector<16xi32>
    %and3A_126 = arith.andi %ne3A_120, %ne3A_125 : vector<16xi1>
    %sub3A_127 = arith.constant 1 : i32
    %sub3A_128 = vector.broadcast %sub3A_127 : i32 to vector<16xi32>
    %sub3A_129 = arith.subi %div3A_102, %sub3A_128 : vector<16xi32>
    %select_n3A_130 = arith.select %and3A_126, %sub3A_129, %div3A_102 : vector<16xi1>, vector<16xi32>
    %add3A_131 = arith.constant 0 : i32
    %add3A_132 = vector.broadcast %add3A_131 : i32 to vector<16xi32>
    %add3A_133 = arith.addi %add3A_132, %iota3A : vector<16xi32>
    %rem3A_134 = arith.constant 8 : i32
    %rem3A_135 = vector.broadcast %rem3A_134 : i32 to vector<16xi32>
    %rem3A_136 = arith.remsi %add3A_133, %rem3A_135 : vector<16xi32>
    %add3A_137 = arith.constant 16 : i32
    %add3A_138 = vector.broadcast %add3A_137 : i32 to vector<16xi32>
    %add3A_139 = arith.addi %add3A_138, %iota3A : vector<16xi32>
    %rem3A_140 = arith.constant 8 : i32
    %rem3A_141 = vector.broadcast %rem3A_140 : i32 to vector<16xi32>
    %rem3A_142 = arith.remsi %add3A_139, %rem3A_141 : vector<16xi32>
    %add3A_143 = arith.constant 32 : i32
    %add3A_144 = vector.broadcast %add3A_143 : i32 to vector<16xi32>
    %add3A_145 = arith.addi %add3A_144, %iota3A : vector<16xi32>
    %rem3A_146 = arith.constant 8 : i32
    %rem3A_147 = vector.broadcast %rem3A_146 : i32 to vector<16xi32>
    %rem3A_148 = arith.remsi %add3A_145, %rem3A_147 : vector<16xi32>
    %add3A_149 = arith.constant 48 : i32
    %add3A_150 = vector.broadcast %add3A_149 : i32 to vector<16xi32>
    %add3A_151 = arith.addi %add3A_150, %iota3A : vector<16xi32>
    %rem3A_152 = arith.constant 8 : i32
    %rem3A_153 = vector.broadcast %rem3A_152 : i32 to vector<16xi32>
    %rem3A_154 = arith.remsi %add3A_151, %rem3A_153 : vector<16xi32>
    %scan3A = arith.constant 0 : i32
    %scan3A_155 = arith.constant 0 : i32
    %scan3A_156 = arith.constant 25 : i32
    %scan3A_157 = arith.addi %scan3A_155, %scan3A_156 : i32
    %scan3A_158 = arith.constant 1 : i32
    %scan3A_159 = scf.for %scan3A_200 = %scan3A_155 to %scan3A_157 step %scan3A_158 iter_args(%scan3A_201 = %scan3A) -> (i32)  : i32 {
      "tpu.region"() ({
        %run_scoped3A = tpu.sem_alloc : memref<!tpu.dma_semaphore, #tpu.memory_space<semaphore_mem>>
        %dma_start3A_343 = arith.constant 0 : i32
        %dma_start3A_344 = arith.constant 0 : i32
        %dma_start3A_345 = tpu.memref_slice %arg2[%scan3A_200, %mul3A_2, %dma_start3A_343, %dma_start3A_344] : memref<25x128x8x128xi32, #tpu.memory_space<hbm>> -> memref<1x4x8x128xi32, #tpu.memory_space<hbm>>
        %dma_start3A_346 = tpu.memref_squeeze %dma_start3A_345 : memref<1x4x8x128xi32, #tpu.memory_space<hbm>> -> memref<4x8x128xi32, #tpu.memory_space<hbm>>
        %dma_start3A_347 = arith.constant 0 : i32
        %dma_start3A_348 = arith.constant 0 : i32
        %dma_start3A_349 = tpu.memref_slice %arg2[%scan3A_200, %mul3A_2, %dma_start3A_347, %dma_start3A_348] : memref<25x128x8x128xi32, #tpu.memory_space<hbm>> -> memref<1x4x8x128xi32, #tpu.memory_space<hbm>>
        %dma_start3A_350 = tpu.memref_squeeze %dma_start3A_349 : memref<1x4x8x128xi32, #tpu.memory_space<hbm>> -> memref<4x8x128xi32, #tpu.memory_space<hbm>>
        tpu.enqueue_dma source(%dma_start3A_350 : memref<4x8x128xi32, #tpu.memory_space<hbm>>) target(%arg5 : memref<4x8x128xi32, #tpu.memory_space<vmem>>) target_semaphore(%run_scoped3A : memref<!tpu.dma_semaphore, #tpu.memory_space<semaphore_mem>>)
        %dma_wait3A_351 = arith.constant 0 : i32
        %dma_wait3A_352 = arith.constant 0 : i32
        %dma_wait3A_353 = tpu.memref_slice %arg2[%scan3A_200, %mul3A_2, %dma_wait3A_351, %dma_wait3A_352] : memref<25x128x8x128xi32, #tpu.memory_space<hbm>> -> memref<1x4x8x128xi32, #tpu.memory_space<hbm>>
        %dma_wait3A_354 = tpu.memref_squeeze %dma_wait3A_353 : memref<1x4x8x128xi32, #tpu.memory_space<hbm>> -> memref<4x8x128xi32, #tpu.memory_space<hbm>>
        %dma_wait3A_355 = arith.constant 0 : i32
        %dma_wait3A_356 = arith.constant 0 : i32
        %dma_wait3A_357 = tpu.memref_slice %arg2[%scan3A_200, %mul3A_2, %dma_wait3A_355, %dma_wait3A_356] : memref<25x128x8x128xi32, #tpu.memory_space<hbm>> -> memref<1x4x8x128xi32, #tpu.memory_space<hbm>>
        %dma_wait3A_358 = tpu.memref_squeeze %dma_wait3A_357 : memref<1x4x8x128xi32, #tpu.memory_space<hbm>> -> memref<4x8x128xi32, #tpu.memory_space<hbm>>
        tpu.wait_dma2 semaphore(%run_scoped3A : memref<!tpu.dma_semaphore, #tpu.memory_space<semaphore_mem>>) src(%dma_wait3A_358 : memref<4x8x128xi32, #tpu.memory_space<hbm>>) dst(%arg5 : memref<4x8x128xi32, #tpu.memory_space<vmem>>)
        tpu.yield
      }) : () -> ()
      %rem3A_202 = arith.constant 0 : i32
      %rem3A_203 = arith.constant 4 : i32
      %rem3A_204 = arith.remsi %rem3A_202, %rem3A_203 : i32
      %rem3A_205 = arith.constant 0 : i32
      %rem3A_206 = arith.constant 8 : i32
      %rem3A_207 = arith.remsi %rem3A_205, %rem3A_206 : i32
      %mul3A_208 = arith.constant 128 : i32
      %mul3A_209 = arith.muli %rem3A_207, %mul3A_208 : i32
      %dma_start3A = arith.constant 0 : i32
      %dma_start3A_210 = arith.constant 0 : i32
      %dma_start3A_211 = tpu.memref_slice %arg6[%mul3A_209, %dma_start3A_210] : memref<1024x64xf32, #tpu.memory_space<vmem>> -> memref<128x64xf32, #tpu.memory_space<vmem>>
      %dma_start3A_212 = arith.constant 0 : i32
      %dma_start3A_213 = tpu.memref_slice %arg5[%rem3A_204, %dma_start3A, %dma_start3A_212] : memref<4x8x128xi32, #tpu.memory_space<vmem>> -> memref<1x1x128xi32, #tpu.memory_space<vmem>>
      %dma_start3A_214 = tpu.memref_squeeze %dma_start3A_213 : memref<1x1x128xi32, #tpu.memory_space<vmem>> -> memref<128xi32, #tpu.memory_space<vmem>>
      %dma_start3A_215 = arith.constant 0 : i32
      %dma_start3A_216 = arith.constant 0 : i32
      %dma_start3A_217 = tpu.memref_slice %arg3[%dma_start3A_215, %dma_start3A_216] : memref<1000000x64xf32, #tpu.memory_space<hbm>> -> memref<1000000x64xf32, #tpu.memory_space<hbm>>
      tpu.enqueue_indirect_dma source(%dma_start3A_217 : memref<1000000x64xf32, #tpu.memory_space<hbm>>) target(%dma_start3A_211 : memref<128x64xf32, #tpu.memory_space<vmem>>) offsets(%dma_start3A_214 : memref<128xi32, #tpu.memory_space<vmem>>) semaphore(%arg9 : memref<!tpu.dma_semaphore, #tpu.memory_space<semaphore_mem>>)
      %rem3A_218 = arith.constant 1 : i32
      %rem3A_219 = arith.constant 4 : i32
      %rem3A_220 = arith.remsi %rem3A_218, %rem3A_219 : i32
      %rem3A_221 = arith.constant 1 : i32
      %rem3A_222 = arith.constant 8 : i32
      %rem3A_223 = arith.remsi %rem3A_221, %rem3A_222 : i32
      %mul3A_224 = arith.constant 128 : i32
      %mul3A_225 = arith.muli %rem3A_223, %mul3A_224 : i32
      %dma_start3A_226 = arith.constant 0 : i32
      %dma_start3A_227 = arith.constant 0 : i32
      %dma_start3A_228 = tpu.memref_slice %arg6[%mul3A_225, %dma_start3A_227] : memref<1024x64xf32, #tpu.memory_space<vmem>> -> memref<128x64xf32, #tpu.memory_space<vmem>>
      %dma_start3A_229 = arith.constant 0 : i32
      %dma_start3A_230 = tpu.memref_slice %arg5[%rem3A_220, %dma_start3A_226, %dma_start3A_229] : memref<4x8x128xi32, #tpu.memory_space<vmem>> -> memref<1x1x128xi32, #tpu.memory_space<vmem>>
      %dma_start3A_231 = tpu.memref_squeeze %dma_start3A_230 : memref<1x1x128xi32, #tpu.memory_space<vmem>> -> memref<128xi32, #tpu.memory_space<vmem>>
      %dma_start3A_232 = arith.constant 0 : i32
      %dma_start3A_233 = arith.constant 0 : i32
      %dma_start3A_234 = tpu.memref_slice %arg3[%dma_start3A_232, %dma_start3A_233] : memref<1000000x64xf32, #tpu.memory_space<hbm>> -> memref<1000000x64xf32, #tpu.memory_space<hbm>>
      tpu.enqueue_indirect_dma source(%dma_start3A_234 : memref<1000000x64xf32, #tpu.memory_space<hbm>>) target(%dma_start3A_228 : memref<128x64xf32, #tpu.memory_space<vmem>>) offsets(%dma_start3A_231 : memref<128xi32, #tpu.memory_space<vmem>>) semaphore(%arg9 : memref<!tpu.dma_semaphore, #tpu.memory_space<semaphore_mem>>)
      %rem3A_235 = arith.constant 2 : i32
      %rem3A_236 = arith.constant 4 : i32
      %rem3A_237 = arith.remsi %rem3A_235, %rem3A_236 : i32
      %rem3A_238 = arith.constant 2 : i32
      %rem3A_239 = arith.constant 8 : i32
      %rem3A_240 = arith.remsi %rem3A_238, %rem3A_239 : i32
      %mul3A_241 = arith.constant 128 : i32
      %mul3A_242 = arith.muli %rem3A_240, %mul3A_241 : i32
      %dma_start3A_243 = arith.constant 0 : i32
      %dma_start3A_244 = arith.constant 0 : i32
      %dma_start3A_245 = tpu.memref_slice %arg6[%mul3A_242, %dma_start3A_244] : memref<1024x64xf32, #tpu.memory_space<vmem>> -> memref<128x64xf32, #tpu.memory_space<vmem>>
      %dma_start3A_246 = arith.constant 0 : i32
      %dma_start3A_247 = tpu.memref_slice %arg5[%rem3A_237, %dma_start3A_243, %dma_start3A_246] : memref<4x8x128xi32, #tpu.memory_space<vmem>> -> memref<1x1x128xi32, #tpu.memory_space<vmem>>
      %dma_start3A_248 = tpu.memref_squeeze %dma_start3A_247 : memref<1x1x128xi32, #tpu.memory_space<vmem>> -> memref<128xi32, #tpu.memory_space<vmem>>
      %dma_start3A_249 = arith.constant 0 : i32
      %dma_start3A_250 = arith.constant 0 : i32
      %dma_start3A_251 = tpu.memref_slice %arg3[%dma_start3A_249, %dma_start3A_250] : memref<1000000x64xf32, #tpu.memory_space<hbm>> -> memref<1000000x64xf32, #tpu.memory_space<hbm>>
      tpu.enqueue_indirect_dma source(%dma_start3A_251 : memref<1000000x64xf32, #tpu.memory_space<hbm>>) target(%dma_start3A_245 : memref<128x64xf32, #tpu.memory_space<vmem>>) offsets(%dma_start3A_248 : memref<128xi32, #tpu.memory_space<vmem>>) semaphore(%arg9 : memref<!tpu.dma_semaphore, #tpu.memory_space<semaphore_mem>>)
      %rem3A_252 = arith.constant 3 : i32
      %rem3A_253 = arith.constant 4 : i32
      %rem3A_254 = arith.remsi %rem3A_252, %rem3A_253 : i32
      %rem3A_255 = arith.constant 3 : i32
      %rem3A_256 = arith.constant 8 : i32
      %rem3A_257 = arith.remsi %rem3A_255, %rem3A_256 : i32
      %mul3A_258 = arith.constant 128 : i32
      %mul3A_259 = arith.muli %rem3A_257, %mul3A_258 : i32
      %dma_start3A_260 = arith.constant 0 : i32
      %dma_start3A_261 = arith.constant 0 : i32
      %dma_start3A_262 = tpu.memref_slice %arg6[%mul3A_259, %dma_start3A_261] : memref<1024x64xf32, #tpu.memory_space<vmem>> -> memref<128x64xf32, #tpu.memory_space<vmem>>
      %dma_start3A_263 = arith.constant 0 : i32
      %dma_start3A_264 = tpu.memref_slice %arg5[%rem3A_254, %dma_start3A_260, %dma_start3A_263] : memref<4x8x128xi32, #tpu.memory_space<vmem>> -> memref<1x1x128xi32, #tpu.memory_space<vmem>>
      %dma_start3A_265 = tpu.memref_squeeze %dma_start3A_264 : memref<1x1x128xi32, #tpu.memory_space<vmem>> -> memref<128xi32, #tpu.memory_space<vmem>>
      %dma_start3A_266 = arith.constant 0 : i32
      %dma_start3A_267 = arith.constant 0 : i32
      %dma_start3A_268 = tpu.memref_slice %arg3[%dma_start3A_266, %dma_start3A_267] : memref<1000000x64xf32, #tpu.memory_space<hbm>> -> memref<1000000x64xf32, #tpu.memory_space<hbm>>
      tpu.enqueue_indirect_dma source(%dma_start3A_268 : memref<1000000x64xf32, #tpu.memory_space<hbm>>) target(%dma_start3A_262 : memref<128x64xf32, #tpu.memory_space<vmem>>) offsets(%dma_start3A_265 : memref<128xi32, #tpu.memory_space<vmem>>) semaphore(%arg9 : memref<!tpu.dma_semaphore, #tpu.memory_space<semaphore_mem>>)
      %rem3A_269 = arith.constant 4 : i32
      %rem3A_270 = arith.constant 4 : i32
      %rem3A_271 = arith.remsi %rem3A_269, %rem3A_270 : i32
      %rem3A_272 = arith.constant 4 : i32
      %rem3A_273 = arith.constant 8 : i32
      %rem3A_274 = arith.remsi %rem3A_272, %rem3A_273 : i32
      %mul3A_275 = arith.constant 128 : i32
      %mul3A_276 = arith.muli %rem3A_274, %mul3A_275 : i32
      %dma_start3A_277 = arith.constant 1 : i32
      %dma_start3A_278 = arith.constant 0 : i32
      %dma_start3A_279 = tpu.memref_slice %arg6[%mul3A_276, %dma_start3A_278] : memref<1024x64xf32, #tpu.memory_space<vmem>> -> memref<128x64xf32, #tpu.memory_space<vmem>>
      %dma_start3A_280 = arith.constant 0 : i32
      %dma_start3A_281 = tpu.memref_slice %arg5[%rem3A_271, %dma_start3A_277, %dma_start3A_280] : memref<4x8x128xi32, #tpu.memory_space<vmem>> -> memref<1x1x128xi32, #tpu.memory_space<vmem>>
      %dma_start3A_282 = tpu.memref_squeeze %dma_start3A_281 : memref<1x1x128xi32, #tpu.memory_space<vmem>> -> memref<128xi32, #tpu.memory_space<vmem>>
      %dma_start3A_283 = arith.constant 0 : i32
      %dma_start3A_284 = arith.constant 0 : i32
      %dma_start3A_285 = tpu.memref_slice %arg3[%dma_start3A_283, %dma_start3A_284] : memref<1000000x64xf32, #tpu.memory_space<hbm>> -> memref<1000000x64xf32, #tpu.memory_space<hbm>>
      tpu.enqueue_indirect_dma source(%dma_start3A_285 : memref<1000000x64xf32, #tpu.memory_space<hbm>>) target(%dma_start3A_279 : memref<128x64xf32, #tpu.memory_space<vmem>>) offsets(%dma_start3A_282 : memref<128xi32, #tpu.memory_space<vmem>>) semaphore(%arg9 : memref<!tpu.dma_semaphore, #tpu.memory_space<semaphore_mem>>)
      %rem3A_286 = arith.constant 5 : i32
      %rem3A_287 = arith.constant 4 : i32
      %rem3A_288 = arith.remsi %rem3A_286, %rem3A_287 : i32
      %rem3A_289 = arith.constant 5 : i32
      %rem3A_290 = arith.constant 8 : i32
      %rem3A_291 = arith.remsi %rem3A_289, %rem3A_290 : i32
      %mul3A_292 = arith.constant 128 : i32
      %mul3A_293 = arith.muli %rem3A_291, %mul3A_292 : i32
      %dma_start3A_294 = arith.constant 1 : i32
      %dma_start3A_295 = arith.constant 0 : i32
      %dma_start3A_296 = tpu.memref_slice %arg6[%mul3A_293, %dma_start3A_295] : memref<1024x64xf32, #tpu.memory_space<vmem>> -> memref<128x64xf32, #tpu.memory_space<vmem>>
      %dma_start3A_297 = arith.constant 0 : i32
      %dma_start3A_298 = tpu.memref_slice %arg5[%rem3A_288, %dma_start3A_294, %dma_start3A_297] : memref<4x8x128xi32, #tpu.memory_space<vmem>> -> memref<1x1x128xi32, #tpu.memory_space<vmem>>
      %dma_start3A_299 = tpu.memref_squeeze %dma_start3A_298 : memref<1x1x128xi32, #tpu.memory_space<vmem>> -> memref<128xi32, #tpu.memory_space<vmem>>
      %dma_start3A_300 = arith.constant 0 : i32
      %dma_start3A_301 = arith.constant 0 : i32
      %dma_start3A_302 = tpu.memref_slice %arg3[%dma_start3A_300, %dma_start3A_301] : memref<1000000x64xf32, #tpu.memory_space<hbm>> -> memref<1000000x64xf32, #tpu.memory_space<hbm>>
      tpu.enqueue_indirect_dma source(%dma_start3A_302 : memref<1000000x64xf32, #tpu.memory_space<hbm>>) target(%dma_start3A_296 : memref<128x64xf32, #tpu.memory_space<vmem>>) offsets(%dma_start3A_299 : memref<128xi32, #tpu.memory_space<vmem>>) semaphore(%arg9 : memref<!tpu.dma_semaphore, #tpu.memory_space<semaphore_mem>>)
      %rem3A_303 = arith.constant 6 : i32
      %rem3A_304 = arith.constant 4 : i32
      %rem3A_305 = arith.remsi %rem3A_303, %rem3A_304 : i32
      %rem3A_306 = arith.constant 6 : i32
      %rem3A_307 = arith.constant 8 : i32
      %rem3A_308 = arith.remsi %rem3A_306, %rem3A_307 : i32
      %mul3A_309 = arith.constant 128 : i32
      %mul3A_310 = arith.muli %rem3A_308, %mul3A_309 : i32
      %dma_start3A_311 = arith.constant 1 : i32
      %dma_start3A_312 = arith.constant 0 : i32
      %dma_start3A_313 = tpu.memref_slice %arg6[%mul3A_310, %dma_start3A_312] : memref<1024x64xf32, #tpu.memory_space<vmem>> -> memref<128x64xf32, #tpu.memory_space<vmem>>
      %dma_start3A_314 = arith.constant 0 : i32
      %dma_start3A_315 = tpu.memref_slice %arg5[%rem3A_305, %dma_start3A_311, %dma_start3A_314] : memref<4x8x128xi32, #tpu.memory_space<vmem>> -> memref<1x1x128xi32, #tpu.memory_space<vmem>>
      %dma_start3A_316 = tpu.memref_squeeze %dma_start3A_315 : memref<1x1x128xi32, #tpu.memory_space<vmem>> -> memref<128xi32, #tpu.memory_space<vmem>>
      %dma_start3A_317 = arith.constant 0 : i32
      %dma_start3A_318 = arith.constant 0 : i32
      %dma_start3A_319 = tpu.memref_slice %arg3[%dma_start3A_317, %dma_start3A_318] : memref<1000000x64xf32, #tpu.memory_space<hbm>> -> memref<1000000x64xf32, #tpu.memory_space<hbm>>
      tpu.enqueue_indirect_dma source(%dma_start3A_319 : memref<1000000x64xf32, #tpu.memory_space<hbm>>) target(%dma_start3A_313 : memref<128x64xf32, #tpu.memory_space<vmem>>) offsets(%dma_start3A_316 : memref<128xi32, #tpu.memory_space<vmem>>) semaphore(%arg9 : memref<!tpu.dma_semaphore, #tpu.memory_space<semaphore_mem>>)
      %rem3A_320 = arith.constant 7 : i32
      %rem3A_321 = arith.constant 4 : i32
      %rem3A_322 = arith.remsi %rem3A_320, %rem3A_321 : i32
      %rem3A_323 = arith.constant 7 : i32
      %rem3A_324 = arith.constant 8 : i32
      %rem3A_325 = arith.remsi %rem3A_323, %rem3A_324 : i32
      %mul3A_326 = arith.constant 128 : i32
      %mul3A_327 = arith.muli %rem3A_325, %mul3A_326 : i32
      %dma_start3A_328 = arith.constant 1 : i32
      %dma_start3A_329 = arith.constant 0 : i32
      %dma_start3A_330 = tpu.memref_slice %arg6[%mul3A_327, %dma_start3A_329] : memref<1024x64xf32, #tpu.memory_space<vmem>> -> memref<128x64xf32, #tpu.memory_space<vmem>>
      %dma_start3A_331 = arith.constant 0 : i32
      %dma_start3A_332 = tpu.memref_slice %arg5[%rem3A_322, %dma_start3A_328, %dma_start3A_331] : memref<4x8x128xi32, #tpu.memory_space<vmem>> -> memref<1x1x128xi32, #tpu.memory_space<vmem>>
      %dma_start3A_333 = tpu.memref_squeeze %dma_start3A_332 : memref<1x1x128xi32, #tpu.memory_space<vmem>> -> memref<128xi32, #tpu.memory_space<vmem>>
      %dma_start3A_334 = arith.constant 0 : i32
      %dma_start3A_335 = arith.constant 0 : i32
      %dma_start3A_336 = tpu.memref_slice %arg3[%dma_start3A_334, %dma_start3A_335] : memref<1000000x64xf32, #tpu.memory_space<hbm>> -> memref<1000000x64xf32, #tpu.memory_space<hbm>>
      tpu.enqueue_indirect_dma source(%dma_start3A_336 : memref<1000000x64xf32, #tpu.memory_space<hbm>>) target(%dma_start3A_330 : memref<128x64xf32, #tpu.memory_space<vmem>>) offsets(%dma_start3A_333 : memref<128xi32, #tpu.memory_space<vmem>>) semaphore(%arg9 : memref<!tpu.dma_semaphore, #tpu.memory_space<semaphore_mem>>)
      %scan3A_337 = arith.constant 0 : i32
      %scan3A_338 = arith.constant 16 : i32
      %scan3A_339 = arith.addi %scan3A_337, %scan3A_338 : i32
      %scan3A_340 = arith.constant 1 : i32
      %scan3A_341 = scf.for %scan3A_343 = %scan3A_337 to %scan3A_339 step %scan3A_340 iter_args(%scan3A_344 = %scan3A_201) -> (i32)  : i32 {
        %mul3A_345 = arith.constant 2 : i32
        %mul3A_346 = arith.muli %scan3A_343, %mul3A_345 : i32
        %add3A_347 = arith.constant 0 : i32
        %add3A_348 = arith.addi %mul3A_346, %add3A_347 : i32
        %add3A_349 = arith.constant 0 : i32
        %add3A_350 = arith.addi %scan3A_344, %add3A_349 : i32
        %rem3A_351 = arith.constant 4 : i32
        %rem3A_352 = arith.remsi %add3A_348, %rem3A_351 : i32
        %jit3A_353 = arith.constant 4 : i32
        %div3A_354 = arith.divsi %add3A_348, %jit3A_353 : i32
        %sign3A_355 = arith.constant 0 : i32
        %sign3A_356 = arith.cmpi sgt, %add3A_348, %sign3A_355 : i32
        %sign3A_357 = arith.extui %sign3A_356 : i1 to i32
        %sign3A_358 = arith.constant 0 : i32
        %sign3A_359 = arith.cmpi slt, %add3A_348, %sign3A_358 : i32
        %sign3A_360 = arith.extui %sign3A_359 : i1 to i32
        %sign3A_361 = arith.subi %sign3A_357, %sign3A_360 : i32
        %sign3A_362 = arith.constant 0 : i32
        %sign3A_363 = arith.cmpi sgt, %jit3A_353, %sign3A_362 : i32
        %sign3A_364 = arith.extui %sign3A_363 : i1 to i32
        %sign3A_365 = arith.constant 0 : i32
        %sign3A_366 = arith.cmpi slt, %jit3A_353, %sign3A_365 : i32
        %sign3A_367 = arith.extui %sign3A_366 : i1 to i32
        %sign3A_368 = arith.subi %sign3A_364, %sign3A_367 : i32
        %ne3A_369 = arith.cmpi ne, %sign3A_361, %sign3A_368 : i32
        %rem3A_370 = arith.remsi %add3A_348, %jit3A_353 : i32
        %ne3A_371 = arith.constant 0 : i32
        %ne3A_372 = arith.cmpi ne, %rem3A_370, %ne3A_371 : i32
        %and3A_373 = arith.andi %ne3A_369, %ne3A_372 : i1
        %sub3A_374 = arith.constant 1 : i32
        %sub3A_375 = arith.subi %div3A_354, %sub3A_374 : i32
        %select_n3A_376 = arith.select %and3A_373, %sub3A_375, %div3A_354 : i32
        %mul3A_377 = arith.constant 8 : i32
        %mul3A_378 = arith.muli %scan3A_200, %mul3A_377 : i32
        %add3A_379 = arith.addi %mul3A_378, %select_n3A_376 : i32
        %add3A_380 = arith.addi %mul3A_2, %rem3A_352 : i32
        %dma_wait3A_381 = arith.constant 0 : i32
        %dma_wait3A_382 = arith.constant 0 : i32
        %dma_wait3A_383 = arith.constant 0 : i32
        %dma_wait3A_384 = arith.constant 0 : i32
        %dma_wait3A_385 = tpu.memref_slice %arg6[%dma_wait3A_383, %dma_wait3A_384] : memref<1024x64xf32, #tpu.memory_space<vmem>> -> memref<128x64xf32, #tpu.memory_space<vmem>>
        %dma_wait3A_386 = arith.constant 0 : i32
        %dma_wait3A_387 = tpu.memref_slice %arg5[%dma_wait3A_381, %dma_wait3A_382, %dma_wait3A_386] : memref<4x8x128xi32, #tpu.memory_space<vmem>> -> memref<1x1x128xi32, #tpu.memory_space<vmem>>
        %dma_wait3A_388 = tpu.memref_squeeze %dma_wait3A_387 : memref<1x1x128xi32, #tpu.memory_space<vmem>> -> memref<128xi32, #tpu.memory_space<vmem>>
        %dma_wait3A_389 = arith.constant 0 : i32
        %dma_wait3A_390 = arith.constant 0 : i32
        %dma_wait3A_391 = tpu.memref_slice %arg3[%dma_wait3A_389, %dma_wait3A_390] : memref<1000000x64xf32, #tpu.memory_space<hbm>> -> memref<1000000x64xf32, #tpu.memory_space<hbm>>
        tpu.wait_indirect_dma semaphore(%arg9 : memref<!tpu.dma_semaphore, #tpu.memory_space<semaphore_mem>>) src(%dma_wait3A_391 : memref<1000000x64xf32, #tpu.memory_space<hbm>>) dst(%dma_wait3A_385 : memref<128x64xf32, #tpu.memory_space<vmem>>)
        %ge3A = arith.constant 2 : i32
        %ge3A_392 = arith.cmpi sge, %add3A_350, %ge3A : i32
        %convert_element_type3A = arith.extui %ge3A_392 : i1 to i32
        %cond3A = arith.constant 0 : i32
        %cond3A_393 = arith.cmpi ne, %convert_element_type3A, %cond3A : i32
        scf.if %cond3A_393 {
          %dma_wait3A_506 = arith.constant 0 : i32
          %dma_wait3A_507 = arith.constant 0 : i32
          %dma_wait3A_508 = arith.constant 0 : i32
          %dma_wait3A_509 = arith.constant 0 : i32
          %dma_wait3A_510 = arith.constant 0 : i32
          %dma_wait3A_511 = tpu.memref_slice %arg7[%dma_wait3A_508, %dma_wait3A_509, %dma_wait3A_510] : memref<8x8x129xf32, #tpu.memory_space<vmem>> -> memref<8x8x128xf32, #tpu.memory_space<vmem>>
          %dma_wait3A_512 = arith.constant 0 : i32
          %dma_wait3A_513 = arith.constant 0 : i32
          %dma_wait3A_514 = arith.constant 0 : i32
          %dma_wait3A_515 = tpu.memref_slice %arg4[%dma_wait3A_506, %dma_wait3A_512, %dma_wait3A_507, %dma_wait3A_513, %dma_wait3A_514] : memref<200x8x128x8x128xf32, #tpu.memory_space<hbm>> -> memref<1x8x1x8x128xf32, #tpu.memory_space<hbm>>
          %dma_wait3A_516 = tpu.memref_squeeze %dma_wait3A_515 : memref<1x8x1x8x128xf32, #tpu.memory_space<hbm>> -> memref<8x8x128xf32, #tpu.memory_space<hbm>>
          %dma_wait3A_517 = arith.constant 0 : i32
          %dma_wait3A_518 = arith.constant 0 : i32
          %dma_wait3A_519 = arith.constant 0 : i32
          %dma_wait3A_520 = tpu.memref_slice %arg4[%dma_wait3A_506, %dma_wait3A_517, %dma_wait3A_507, %dma_wait3A_518, %dma_wait3A_519] : memref<200x8x128x8x128xf32, #tpu.memory_space<hbm>> -> memref<1x8x1x8x128xf32, #tpu.memory_space<hbm>>
          %dma_wait3A_521 = tpu.memref_squeeze %dma_wait3A_520 : memref<1x8x1x8x128xf32, #tpu.memory_space<hbm>> -> memref<8x8x128xf32, #tpu.memory_space<hbm>>
          %dma_wait3A_522 = arith.constant 0 : i32
          %dma_wait3A_523 = arith.constant 0 : i32
          %dma_wait3A_524 = arith.constant 0 : i32
          %dma_wait3A_525 = tpu.memref_slice %arg7[%dma_wait3A_522, %dma_wait3A_523, %dma_wait3A_524] : memref<8x8x129xf32, #tpu.memory_space<vmem>> -> memref<8x8x128xf32, #tpu.memory_space<vmem>>
          tpu.wait_dma2 semaphore(%arg10 : memref<!tpu.dma_semaphore, #tpu.memory_space<semaphore_mem>>) src(%dma_wait3A_525 : memref<8x8x128xf32, #tpu.memory_space<vmem>>) dst(%dma_wait3A_521 : memref<8x8x128xf32, #tpu.memory_space<hbm>>)
        } else {
        }
        %rem3A_394 = arith.constant 8 : i32
        %rem3A_395 = arith.remsi %add3A_348, %rem3A_394 : i32
        %mul3A_396 = arith.constant 128 : i32
        %mul3A_397 = arith.muli %rem3A_395, %mul3A_396 : i32
        %parallel_loop3A = arith.constant 0 : i32
        %parallel_loop3A_398 = arith.constant 128 : i32
        %parallel_loop3A_399 = arith.constant 1 : i32
        scf.for %parallel_loop3A_506 = %parallel_loop3A to %parallel_loop3A_398 step %parallel_loop3A_399  : i32 {
          %parallel_loop3A_507 = vector.broadcast %parallel_loop3A_506 : i32 to vector<16xi32>
          %parallel_loop3A_508 = arith.constant 0 : i32
          %parallel_loop3A_509 = tpu.memref_slice %arg6[%mul3A_397, %parallel_loop3A_508] : memref<1024x64xf32, #tpu.memory_space<vmem>> -> memref<128x64xf32, #tpu.memory_space<vmem>>
          %parallel_loop3A_510 = arith.index_cast %parallel_loop3A_506 : i32 to index
          %parallel_loop3A_511 = arith.constant 0 : index
          %parallel_loop3A_512 = tpu.vector_load %parallel_loop3A_509[%parallel_loop3A_510, %parallel_loop3A_511] {strides = array<i32>} : memref<128x64xf32, #tpu.memory_space<vmem>>, vector<16xf32>,
          tpu.vector_store_idx %arg7[%select_n3A, %rem3A_136, %parallel_loop3A_507], %parallel_loop3A_512 : memref<8x8x129xf32, #tpu.memory_space<vmem>>[vector<16xi32>, vector<16xi32>, vector<16xi32>], vector<16xf32>,
          %parallel_loop3A_513 = arith.constant 0 : i32
          %parallel_loop3A_514 = tpu.memref_slice %arg6[%mul3A_397, %parallel_loop3A_513] : memref<1024x64xf32, #tpu.memory_space<vmem>> -> memref<128x64xf32, #tpu.memory_space<vmem>>
          %parallel_loop3A_515 = arith.index_cast %parallel_loop3A_506 : i32 to index
          %parallel_loop3A_516 = arith.constant 16 : index
          %parallel_loop3A_517 = tpu.vector_load %parallel_loop3A_514[%parallel_loop3A_515, %parallel_loop3A_516] {strides = array<i32>} : memref<128x64xf32, #tpu.memory_space<vmem>>, vector<16xf32>,
          tpu.vector_store_idx %arg7[%select_n3A_62, %rem3A_142, %parallel_loop3A_507], %parallel_loop3A_517 : memref<8x8x129xf32, #tpu.memory_space<vmem>>[vector<16xi32>, vector<16xi32>, vector<16xi32>], vector<16xf32>,
          %parallel_loop3A_518 = arith.constant 0 : i32
          %parallel_loop3A_519 = tpu.memref_slice %arg6[%mul3A_397, %parallel_loop3A_518] : memref<1024x64xf32, #tpu.memory_space<vmem>> -> memref<128x64xf32, #tpu.memory_space<vmem>>
          %parallel_loop3A_520 = arith.index_cast %parallel_loop3A_506 : i32 to index
          %parallel_loop3A_521 = arith.constant 32 : index
          %parallel_loop3A_522 = tpu.vector_load %parallel_loop3A_519[%parallel_loop3A_520, %parallel_loop3A_521] {strides = array<i32>} : memref<128x64xf32, #tpu.memory_space<vmem>>, vector<16xf32>,
          tpu.vector_store_idx %arg7[%select_n3A_96, %rem3A_148, %parallel_loop3A_507], %parallel_loop3A_522 : memref<8x8x129xf32, #tpu.memory_space<vmem>>[vector<16xi32>, vector<16xi32>, vector<16xi32>], vector<16xf32>,
          %parallel_loop3A_523 = arith.constant 0 : i32
          %parallel_loop3A_524 = tpu.memref_slice %arg6[%mul3A_397, %parallel_loop3A_523] : memref<1024x64xf32, #tpu.memory_space<vmem>> -> memref<128x64xf32, #tpu.memory_space<vmem>>
          %parallel_loop3A_525 = arith.index_cast %parallel_loop3A_506 : i32 to index
          %parallel_loop3A_526 = arith.constant 48 : index
          %parallel_loop3A_527 = tpu.vector_load %parallel_loop3A_524[%parallel_loop3A_525, %parallel_loop3A_526] {strides = array<i32>} : memref<128x64xf32, #tpu.memory_space<vmem>>, vector<16xf32>,
          tpu.vector_store_idx %arg7[%select_n3A_130, %rem3A_154, %parallel_loop3A_507], %parallel_loop3A_527 : memref<8x8x129xf32, #tpu.memory_space<vmem>>[vector<16xi32>, vector<16xi32>, vector<16xi32>], vector<16xf32>,
        } {sc.loop_unroll_factor = 8 : i64, sc.parallel_access}
        %dma_start3A_400 = arith.constant 0 : i32
        %dma_start3A_401 = arith.constant 0 : i32
        %dma_start3A_402 = arith.constant 0 : i32
        %dma_start3A_403 = tpu.memref_slice %arg7[%dma_start3A_400, %dma_start3A_401, %dma_start3A_402] : memref<8x8x129xf32, #tpu.memory_space<vmem>> -> memref<8x8x128xf32, #tpu.memory_space<vmem>>
        %dma_start3A_404 = arith.constant 0 : i32
        %dma_start3A_405 = arith.constant 0 : i32
        %dma_start3A_406 = arith.constant 0 : i32
        %dma_start3A_407 = tpu.memref_slice %arg4[%add3A_379, %dma_start3A_404, %add3A_380, %dma_start3A_405, %dma_start3A_406] : memref<200x8x128x8x128xf32, #tpu.memory_space<hbm>> -> memref<1x8x1x8x128xf32, #tpu.memory_space<hbm>>
        %dma_start3A_408 = tpu.memref_squeeze %dma_start3A_407 : memref<1x8x1x8x128xf32, #tpu.memory_space<hbm>> -> memref<8x8x128xf32, #tpu.memory_space<hbm>>
        %dma_start3A_409 = arith.constant 0 : i32
        %dma_start3A_410 = arith.constant 0 : i32
        %dma_start3A_411 = arith.constant 0 : i32
        %dma_start3A_412 = tpu.memref_slice %arg4[%add3A_379, %dma_start3A_409, %add3A_380, %dma_start3A_410, %dma_start3A_411] : memref<200x8x128x8x128xf32, #tpu.memory_space<hbm>> -> memref<1x8x1x8x128xf32, #tpu.memory_space<hbm>>
        %dma_start3A_413 = tpu.memref_squeeze %dma_start3A_412 : memref<1x8x1x8x128xf32, #tpu.memory_space<hbm>> -> memref<8x8x128xf32, #tpu.memory_space<hbm>>
        %dma_start3A_414 = arith.constant 0 : i32
        %dma_start3A_415 = arith.constant 0 : i32
        %dma_start3A_416 = arith.constant 0 : i32
        %dma_start3A_417 = tpu.memref_slice %arg7[%dma_start3A_414, %dma_start3A_415, %dma_start3A_416] : memref<8x8x129xf32, #tpu.memory_space<vmem>> -> memref<8x8x128xf32, #tpu.memory_space<vmem>>
        tpu.enqueue_dma source(%dma_start3A_417 : memref<8x8x128xf32, #tpu.memory_space<vmem>>) target(%dma_start3A_413 : memref<8x8x128xf32, #tpu.memory_space<hbm>>) target_semaphore(%arg10 : memref<!tpu.dma_semaphore, #tpu.memory_space<semaphore_mem>>)
        %lt3A = arith.constant 24 : i32
        %lt3A_418 = arith.cmpi slt, %add3A_348, %lt3A : i32
        %convert_element_type3A_419 = arith.extui %lt3A_418 : i1 to i32
        %cond3A_420 = arith.constant 0 : i32
        %cond3A_421 = arith.cmpi ne, %convert_element_type3A_419, %cond3A_420 : i32
        scf.if %cond3A_421 {
          %add3A_506 = arith.constant 8 : i32
          %add3A_507 = arith.addi %add3A_348, %add3A_506 : i32
          %rem3A_508 = arith.constant 4 : i32
          %rem3A_509 = arith.remsi %add3A_507, %rem3A_508 : i32
          %jit3A_510 = arith.constant 4 : i32
          %div3A_511 = arith.divsi %add3A_507, %jit3A_510 : i32
          %sign3A_512 = arith.constant 0 : i32
          %sign3A_513 = arith.cmpi sgt, %add3A_507, %sign3A_512 : i32
          %sign3A_514 = arith.extui %sign3A_513 : i1 to i32
          %sign3A_515 = arith.constant 0 : i32
          %sign3A_516 = arith.cmpi slt, %add3A_507, %sign3A_515 : i32
          %sign3A_517 = arith.extui %sign3A_516 : i1 to i32
          %sign3A_518 = arith.subi %sign3A_514, %sign3A_517 : i32
          %sign3A_519 = arith.constant 0 : i32
          %sign3A_520 = arith.cmpi sgt, %jit3A_510, %sign3A_519 : i32
          %sign3A_521 = arith.extui %sign3A_520 : i1 to i32
          %sign3A_522 = arith.constant 0 : i32
          %sign3A_523 = arith.cmpi slt, %jit3A_510, %sign3A_522 : i32
          %sign3A_524 = arith.extui %sign3A_523 : i1 to i32
          %sign3A_525 = arith.subi %sign3A_521, %sign3A_524 : i32
          %ne3A_526 = arith.cmpi ne, %sign3A_518, %sign3A_525 : i32
          %rem3A_527 = arith.remsi %add3A_507, %jit3A_510 : i32
          %ne3A_528 = arith.constant 0 : i32
          %ne3A_529 = arith.cmpi ne, %rem3A_527, %ne3A_528 : i32
          %and3A_530 = arith.andi %ne3A_526, %ne3A_529 : i1
          %sub3A_531 = arith.constant 1 : i32
          %sub3A_532 = arith.subi %div3A_511, %sub3A_531 : i32
          %select_n3A_533 = arith.select %and3A_530, %sub3A_532, %div3A_511 : i32
          %rem3A_534 = arith.constant 8 : i32
          %rem3A_535 = arith.remsi %add3A_507, %rem3A_534 : i32
          %mul3A_536 = arith.constant 128 : i32
          %mul3A_537 = arith.muli %rem3A_535, %mul3A_536 : i32
          %dma_start3A_538 = arith.constant 0 : i32
          %dma_start3A_539 = tpu.memref_slice %arg6[%mul3A_537, %dma_start3A_538] : memref<1024x64xf32, #tpu.memory_space<vmem>> -> memref<128x64xf32, #tpu.memory_space<vmem>>
          %dma_start3A_540 = arith.constant 0 : i32
          %dma_start3A_541 = tpu.memref_slice %arg5[%rem3A_509, %select_n3A_533, %dma_start3A_540] : memref<4x8x128xi32, #tpu.memory_space<vmem>> -> memref<1x1x128xi32, #tpu.memory_space<vmem>>
          %dma_start3A_542 = tpu.memref_squeeze %dma_start3A_541 : memref<1x1x128xi32, #tpu.memory_space<vmem>> -> memref<128xi32, #tpu.memory_space<vmem>>
          %dma_start3A_543 = arith.constant 0 : i32
          %dma_start3A_544 = arith.constant 0 : i32
          %dma_start3A_545 = tpu.memref_slice %arg3[%dma_start3A_543, %dma_start3A_544] : memref<1000000x64xf32, #tpu.memory_space<hbm>> -> memref<1000000x64xf32, #tpu.memory_space<hbm>>
          tpu.enqueue_indirect_dma source(%dma_start3A_545 : memref<1000000x64xf32, #tpu.memory_space<hbm>>) target(%dma_start3A_539 : memref<128x64xf32, #tpu.memory_space<vmem>>) offsets(%dma_start3A_542 : memref<128xi32, #tpu.memory_space<vmem>>) semaphore(%arg9 : memref<!tpu.dma_semaphore, #tpu.memory_space<semaphore_mem>>)
        } else {
        }
        %mul3A_422 = arith.constant 2 : i32
        %mul3A_423 = arith.muli %scan3A_343, %mul3A_422 : i32
        %add3A_424 = arith.constant 1 : i32
        %add3A_425 = arith.addi %mul3A_423, %add3A_424 : i32
        %add3A_426 = arith.constant 1 : i32
        %add3A_427 = arith.addi %scan3A_344, %add3A_426 : i32
        %rem3A_428 = arith.constant 4 : i32
        %rem3A_429 = arith.remsi %add3A_425, %rem3A_428 : i32
        %jit3A_430 = arith.constant 4 : i32
        %div3A_431 = arith.divsi %add3A_425, %jit3A_430 : i32
        %sign3A_432 = arith.constant 0 : i32
        %sign3A_433 = arith.cmpi sgt, %add3A_425, %sign3A_432 : i32
        %sign3A_434 = arith.extui %sign3A_433 : i1 to i32
        %sign3A_435 = arith.constant 0 : i32
        %sign3A_436 = arith.cmpi slt, %add3A_425, %sign3A_435 : i32
        %sign3A_437 = arith.extui %sign3A_436 : i1 to i32
        %sign3A_438 = arith.subi %sign3A_434, %sign3A_437 : i32
        %sign3A_439 = arith.constant 0 : i32
        %sign3A_440 = arith.cmpi sgt, %jit3A_430, %sign3A_439 : i32
        %sign3A_441 = arith.extui %sign3A_440 : i1 to i32
        %sign3A_442 = arith.constant 0 : i32
        %sign3A_443 = arith.cmpi slt, %jit3A_430, %sign3A_442 : i32
        %sign3A_444 = arith.extui %sign3A_443 : i1 to i32
        %sign3A_445 = arith.subi %sign3A_441, %sign3A_444 : i32
        %ne3A_446 = arith.cmpi ne, %sign3A_438, %sign3A_445 : i32
        %rem3A_447 = arith.remsi %add3A_425, %jit3A_430 : i32
        %ne3A_448 = arith.constant 0 : i32
        %ne3A_449 = arith.cmpi ne, %rem3A_447, %ne3A_448 : i32
        %and3A_450 = arith.andi %ne3A_446, %ne3A_449 : i1
        %sub3A_451 = arith.constant 1 : i32
        %sub3A_452 = arith.subi %div3A_431, %sub3A_451 : i32
        %select_n3A_453 = arith.select %and3A_450, %sub3A_452, %div3A_431 : i32
        %mul3A_454 = arith.constant 8 : i32
        %mul3A_455 = arith.muli %scan3A_200, %mul3A_454 : i32
        %add3A_456 = arith.addi %mul3A_455, %select_n3A_453 : i32
        %add3A_457 = arith.addi %mul3A_2, %rem3A_429 : i32
        %dma_wait3A_458 = arith.constant 0 : i32
        %dma_wait3A_459 = arith.constant 0 : i32
        %dma_wait3A_460 = arith.constant 0 : i32
        %dma_wait3A_461 = arith.constant 0 : i32
        %dma_wait3A_462 = tpu.memref_slice %arg6[%dma_wait3A_460, %dma_wait3A_461] : memref<1024x64xf32, #tpu.memory_space<vmem>> -> memref<128x64xf32, #tpu.memory_space<vmem>>
        %dma_wait3A_463 = arith.constant 0 : i32
        %dma_wait3A_464 = tpu.memref_slice %arg5[%dma_wait3A_458, %dma_wait3A_459, %dma_wait3A_463] : memref<4x8x128xi32, #tpu.memory_space<vmem>> -> memref<1x1x128xi32, #tpu.memory_space<vmem>>
        %dma_wait3A_465 = tpu.memref_squeeze %dma_wait3A_464 : memref<1x1x128xi32, #tpu.memory_space<vmem>> -> memref<128xi32, #tpu.memory_space<vmem>>
        %dma_wait3A_466 = arith.constant 0 : i32
        %dma_wait3A_467 = arith.constant 0 : i32
        %dma_wait3A_468 = tpu.memref_slice %arg3[%dma_wait3A_466, %dma_wait3A_467] : memref<1000000x64xf32, #tpu.memory_space<hbm>> -> memref<1000000x64xf32, #tpu.memory_space<hbm>>
        tpu.wait_indirect_dma semaphore(%arg9 : memref<!tpu.dma_semaphore, #tpu.memory_space<semaphore_mem>>) src(%dma_wait3A_468 : memref<1000000x64xf32, #tpu.memory_space<hbm>>) dst(%dma_wait3A_462 : memref<128x64xf32, #tpu.memory_space<vmem>>)
        %ge3A_469 = arith.constant 2 : i32
        %ge3A_470 = arith.cmpi sge, %add3A_427, %ge3A_469 : i32
        %convert_element_type3A_471 = arith.extui %ge3A_470 : i1 to i32
        %cond3A_472 = arith.constant 0 : i32
        %cond3A_473 = arith.cmpi ne, %convert_element_type3A_471, %cond3A_472 : i32
        scf.if %cond3A_473 {
          %dma_wait3A_506 = arith.constant 0 : i32
          %dma_wait3A_507 = arith.constant 0 : i32
          %dma_wait3A_508 = arith.constant 0 : i32
          %dma_wait3A_509 = arith.constant 0 : i32
          %dma_wait3A_510 = arith.constant 0 : i32
          %dma_wait3A_511 = tpu.memref_slice %arg7[%dma_wait3A_508, %dma_wait3A_509, %dma_wait3A_510] : memref<8x8x129xf32, #tpu.memory_space<vmem>> -> memref<8x8x128xf32, #tpu.memory_space<vmem>>
          %dma_wait3A_512 = arith.constant 0 : i32
          %dma_wait3A_513 = arith.constant 0 : i32
          %dma_wait3A_514 = arith.constant 0 : i32
          %dma_wait3A_515 = tpu.memref_slice %arg4[%dma_wait3A_506, %dma_wait3A_512, %dma_wait3A_507, %dma_wait3A_513, %dma_wait3A_514] : memref<200x8x128x8x128xf32, #tpu.memory_space<hbm>> -> memref<1x8x1x8x128xf32, #tpu.memory_space<hbm>>
          %dma_wait3A_516 = tpu.memref_squeeze %dma_wait3A_515 : memref<1x8x1x8x128xf32, #tpu.memory_space<hbm>> -> memref<8x8x128xf32, #tpu.memory_space<hbm>>
          %dma_wait3A_517 = arith.constant 0 : i32
          %dma_wait3A_518 = arith.constant 0 : i32
          %dma_wait3A_519 = arith.constant 0 : i32
          %dma_wait3A_520 = tpu.memref_slice %arg4[%dma_wait3A_506, %dma_wait3A_517, %dma_wait3A_507, %dma_wait3A_518, %dma_wait3A_519] : memref<200x8x128x8x128xf32, #tpu.memory_space<hbm>> -> memref<1x8x1x8x128xf32, #tpu.memory_space<hbm>>
          %dma_wait3A_521 = tpu.memref_squeeze %dma_wait3A_520 : memref<1x8x1x8x128xf32, #tpu.memory_space<hbm>> -> memref<8x8x128xf32, #tpu.memory_space<hbm>>
          %dma_wait3A_522 = arith.constant 0 : i32
          %dma_wait3A_523 = arith.constant 0 : i32
          %dma_wait3A_524 = arith.constant 0 : i32
          %dma_wait3A_525 = tpu.memref_slice %arg7[%dma_wait3A_522, %dma_wait3A_523, %dma_wait3A_524] : memref<8x8x129xf32, #tpu.memory_space<vmem>> -> memref<8x8x128xf32, #tpu.memory_space<vmem>>
          tpu.wait_dma2 semaphore(%arg10 : memref<!tpu.dma_semaphore, #tpu.memory_space<semaphore_mem>>) src(%dma_wait3A_525 : memref<8x8x128xf32, #tpu.memory_space<vmem>>) dst(%dma_wait3A_521 : memref<8x8x128xf32, #tpu.memory_space<hbm>>)
        } else {
        }
        %rem3A_474 = arith.constant 8 : i32
        %rem3A_475 = arith.remsi %add3A_425, %rem3A_474 : i32
        %mul3A_476 = arith.constant 128 : i32
        %mul3A_477 = arith.muli %rem3A_475, %mul3A_476 : i32
        %parallel_loop3A_478 = arith.constant 0 : i32
        %parallel_loop3A_479 = arith.constant 128 : i32
        %parallel_loop3A_480 = arith.constant 1 : i32
        scf.for %parallel_loop3A_506 = %parallel_loop3A_478 to %parallel_loop3A_479 step %parallel_loop3A_480  : i32 {
          %parallel_loop3A_507 = vector.broadcast %parallel_loop3A_506 : i32 to vector<16xi32>
          %parallel_loop3A_508 = arith.constant 0 : i32
          %parallel_loop3A_509 = tpu.memref_slice %arg6[%mul3A_477, %parallel_loop3A_508] : memref<1024x64xf32, #tpu.memory_space<vmem>> -> memref<128x64xf32, #tpu.memory_space<vmem>>
          %parallel_loop3A_510 = arith.index_cast %parallel_loop3A_506 : i32 to index
          %parallel_loop3A_511 = arith.constant 0 : index
          %parallel_loop3A_512 = tpu.vector_load %parallel_loop3A_509[%parallel_loop3A_510, %parallel_loop3A_511] {strides = array<i32>} : memref<128x64xf32, #tpu.memory_space<vmem>>, vector<16xf32>,
          tpu.vector_store_idx %arg8[%select_n3A, %rem3A_136, %parallel_loop3A_507], %parallel_loop3A_512 : memref<8x8x129xf32, #tpu.memory_space<vmem>>[vector<16xi32>, vector<16xi32>, vector<16xi32>], vector<16xf32>,
          %parallel_loop3A_513 = arith.constant 0 : i32
          %parallel_loop3A_514 = tpu.memref_slice %arg6[%mul3A_477, %parallel_loop3A_513] : memref<1024x64xf32, #tpu.memory_space<vmem>> -> memref<128x64xf32, #tpu.memory_space<vmem>>
          %parallel_loop3A_515 = arith.index_cast %parallel_loop3A_506 : i32 to index
          %parallel_loop3A_516 = arith.constant 16 : index
          %parallel_loop3A_517 = tpu.vector_load %parallel_loop3A_514[%parallel_loop3A_515, %parallel_loop3A_516] {strides = array<i32>} : memref<128x64xf32, #tpu.memory_space<vmem>>, vector<16xf32>,
          tpu.vector_store_idx %arg8[%select_n3A_62, %rem3A_142, %parallel_loop3A_507], %parallel_loop3A_517 : memref<8x8x129xf32, #tpu.memory_space<vmem>>[vector<16xi32>, vector<16xi32>, vector<16xi32>], vector<16xf32>,
          %parallel_loop3A_518 = arith.constant 0 : i32
          %parallel_loop3A_519 = tpu.memref_slice %arg6[%mul3A_477, %parallel_loop3A_518] : memref<1024x64xf32, #tpu.memory_space<vmem>> -> memref<128x64xf32, #tpu.memory_space<vmem>>
          %parallel_loop3A_520 = arith.index_cast %parallel_loop3A_506 : i32 to index
          %parallel_loop3A_521 = arith.constant 32 : index
          %parallel_loop3A_522 = tpu.vector_load %parallel_loop3A_519[%parallel_loop3A_520, %parallel_loop3A_521] {strides = array<i32>} : memref<128x64xf32, #tpu.memory_space<vmem>>, vector<16xf32>,
          tpu.vector_store_idx %arg8[%select_n3A_96, %rem3A_148, %parallel_loop3A_507], %parallel_loop3A_522 : memref<8x8x129xf32, #tpu.memory_space<vmem>>[vector<16xi32>, vector<16xi32>, vector<16xi32>], vector<16xf32>,
          %parallel_loop3A_523 = arith.constant 0 : i32
          %parallel_loop3A_524 = tpu.memref_slice %arg6[%mul3A_477, %parallel_loop3A_523] : memref<1024x64xf32, #tpu.memory_space<vmem>> -> memref<128x64xf32, #tpu.memory_space<vmem>>
          %parallel_loop3A_525 = arith.index_cast %parallel_loop3A_506 : i32 to index
          %parallel_loop3A_526 = arith.constant 48 : index
          %parallel_loop3A_527 = tpu.vector_load %parallel_loop3A_524[%parallel_loop3A_525, %parallel_loop3A_526] {strides = array<i32>} : memref<128x64xf32, #tpu.memory_space<vmem>>, vector<16xf32>,
          tpu.vector_store_idx %arg8[%select_n3A_130, %rem3A_154, %parallel_loop3A_507], %parallel_loop3A_527 : memref<8x8x129xf32, #tpu.memory_space<vmem>>[vector<16xi32>, vector<16xi32>, vector<16xi32>], vector<16xf32>,
        } {sc.loop_unroll_factor = 8 : i64, sc.parallel_access}
        %dma_start3A_481 = arith.constant 0 : i32
        %dma_start3A_482 = arith.constant 0 : i32
        %dma_start3A_483 = arith.constant 0 : i32
        %dma_start3A_484 = tpu.memref_slice %arg8[%dma_start3A_481, %dma_start3A_482, %dma_start3A_483] : memref<8x8x129xf32, #tpu.memory_space<vmem>> -> memref<8x8x128xf32, #tpu.memory_space<vmem>>
        %dma_start3A_485 = arith.constant 0 : i32
        %dma_start3A_486 = arith.constant 0 : i32
        %dma_start3A_487 = arith.constant 0 : i32
        %dma_start3A_488 = tpu.memref_slice %arg4[%add3A_456, %dma_start3A_485, %add3A_457, %dma_start3A_486, %dma_start3A_487] : memref<200x8x128x8x128xf32, #tpu.memory_space<hbm>> -> memref<1x8x1x8x128xf32, #tpu.memory_space<hbm>>
        %dma_start3A_489 = tpu.memref_squeeze %dma_start3A_488 : memref<1x8x1x8x128xf32, #tpu.memory_space<hbm>> -> memref<8x8x128xf32, #tpu.memory_space<hbm>>
        %dma_start3A_490 = arith.constant 0 : i32
        %dma_start3A_491 = arith.constant 0 : i32
        %dma_start3A_492 = arith.constant 0 : i32
        %dma_start3A_493 = tpu.memref_slice %arg4[%add3A_456, %dma_start3A_490, %add3A_457, %dma_start3A_491, %dma_start3A_492] : memref<200x8x128x8x128xf32, #tpu.memory_space<hbm>> -> memref<1x8x1x8x128xf32, #tpu.memory_space<hbm>>
        %dma_start3A_494 = tpu.memref_squeeze %dma_start3A_493 : memref<1x8x1x8x128xf32, #tpu.memory_space<hbm>> -> memref<8x8x128xf32, #tpu.memory_space<hbm>>
        %dma_start3A_495 = arith.constant 0 : i32
        %dma_start3A_496 = arith.constant 0 : i32
        %dma_start3A_497 = arith.constant 0 : i32
        %dma_start3A_498 = tpu.memref_slice %arg8[%dma_start3A_495, %dma_start3A_496, %dma_start3A_497] : memref<8x8x129xf32, #tpu.memory_space<vmem>> -> memref<8x8x128xf32, #tpu.memory_space<vmem>>
        tpu.enqueue_dma source(%dma_start3A_498 : memref<8x8x128xf32, #tpu.memory_space<vmem>>) target(%dma_start3A_494 : memref<8x8x128xf32, #tpu.memory_space<hbm>>) target_semaphore(%arg10 : memref<!tpu.dma_semaphore, #tpu.memory_space<semaphore_mem>>)
        %lt3A_499 = arith.constant 24 : i32
        %lt3A_500 = arith.cmpi slt, %add3A_425, %lt3A_499 : i32
        %convert_element_type3A_501 = arith.extui %lt3A_500 : i1 to i32
        %cond3A_502 = arith.constant 0 : i32
        %cond3A_503 = arith.cmpi ne, %convert_element_type3A_501, %cond3A_502 : i32
        scf.if %cond3A_503 {
          %add3A_506 = arith.constant 8 : i32
          %add3A_507 = arith.addi %add3A_425, %add3A_506 : i32
          %rem3A_508 = arith.constant 4 : i32
          %rem3A_509 = arith.remsi %add3A_507, %rem3A_508 : i32
          %jit3A_510 = arith.constant 4 : i32
          %div3A_511 = arith.divsi %add3A_507, %jit3A_510 : i32
          %sign3A_512 = arith.constant 0 : i32
          %sign3A_513 = arith.cmpi sgt, %add3A_507, %sign3A_512 : i32
          %sign3A_514 = arith.extui %sign3A_513 : i1 to i32
          %sign3A_515 = arith.constant 0 : i32
          %sign3A_516 = arith.cmpi slt, %add3A_507, %sign3A_515 : i32
          %sign3A_517 = arith.extui %sign3A_516 : i1 to i32
          %sign3A_518 = arith.subi %sign3A_514, %sign3A_517 : i32
          %sign3A_519 = arith.constant 0 : i32
          %sign3A_520 = arith.cmpi sgt, %jit3A_510, %sign3A_519 : i32
          %sign3A_521 = arith.extui %sign3A_520 : i1 to i32
          %sign3A_522 = arith.constant 0 : i32
          %sign3A_523 = arith.cmpi slt, %jit3A_510, %sign3A_522 : i32
          %sign3A_524 = arith.extui %sign3A_523 : i1 to i32
          %sign3A_525 = arith.subi %sign3A_521, %sign3A_524 : i32
          %ne3A_526 = arith.cmpi ne, %sign3A_518, %sign3A_525 : i32
          %rem3A_527 = arith.remsi %add3A_507, %jit3A_510 : i32
          %ne3A_528 = arith.constant 0 : i32
          %ne3A_529 = arith.cmpi ne, %rem3A_527, %ne3A_528 : i32
          %and3A_530 = arith.andi %ne3A_526, %ne3A_529 : i1
          %sub3A_531 = arith.constant 1 : i32
          %sub3A_532 = arith.subi %div3A_511, %sub3A_531 : i32
          %select_n3A_533 = arith.select %and3A_530, %sub3A_532, %div3A_511 : i32
          %rem3A_534 = arith.constant 8 : i32
          %rem3A_535 = arith.remsi %add3A_507, %rem3A_534 : i32
          %mul3A_536 = arith.constant 128 : i32
          %mul3A_537 = arith.muli %rem3A_535, %mul3A_536 : i32
          %dma_start3A_538 = arith.constant 0 : i32
          %dma_start3A_539 = tpu.memref_slice %arg6[%mul3A_537, %dma_start3A_538] : memref<1024x64xf32, #tpu.memory_space<vmem>> -> memref<128x64xf32, #tpu.memory_space<vmem>>
          %dma_start3A_540 = arith.constant 0 : i32
          %dma_start3A_541 = tpu.memref_slice %arg5[%rem3A_509, %select_n3A_533, %dma_start3A_540] : memref<4x8x128xi32, #tpu.memory_space<vmem>> -> memref<1x1x128xi32, #tpu.memory_space<vmem>>
          %dma_start3A_542 = tpu.memref_squeeze %dma_start3A_541 : memref<1x1x128xi32, #tpu.memory_space<vmem>> -> memref<128xi32, #tpu.memory_space<vmem>>
          %dma_start3A_543 = arith.constant 0 : i32
          %dma_start3A_544 = arith.constant 0 : i32
          %dma_start3A_545 = tpu.memref_slice %arg3[%dma_start3A_543, %dma_start3A_544] : memref<1000000x64xf32, #tpu.memory_space<hbm>> -> memref<1000000x64xf32, #tpu.memory_space<hbm>>
          tpu.enqueue_indirect_dma source(%dma_start3A_545 : memref<1000000x64xf32, #tpu.memory_space<hbm>>) target(%dma_start3A_539 : memref<128x64xf32, #tpu.memory_space<vmem>>) offsets(%dma_start3A_542 : memref<128xi32, #tpu.memory_space<vmem>>) semaphore(%arg9 : memref<!tpu.dma_semaphore, #tpu.memory_space<semaphore_mem>>)
        } else {
        }
        %add3A_504 = arith.constant 2 : i32
        %add3A_505 = arith.addi %scan3A_344, %add3A_504 : i32
        scf.yield %add3A_505 : i32
      }
      %scan3A_342 = arith.constant 16 : i32
      scf.yield %scan3A_341 : i32
    }
    %scan3A_160 = arith.constant 25 : i32
    %dma_wait3A = arith.constant 0 : i32
    %dma_wait3A_161 = arith.constant 0 : i32
    %dma_wait3A_162 = arith.constant 0 : i32
    %dma_wait3A_163 = arith.constant 0 : i32
    %dma_wait3A_164 = arith.constant 0 : i32
    %dma_wait3A_165 = tpu.memref_slice %arg7[%dma_wait3A_162, %dma_wait3A_163, %dma_wait3A_164] : memref<8x8x129xf32, #tpu.memory_space<vmem>> -> memref<8x8x128xf32, #tpu.memory_space<vmem>>
    %dma_wait3A_166 = arith.constant 0 : i32
    %dma_wait3A_167 = arith.constant 0 : i32
    %dma_wait3A_168 = arith.constant 0 : i32
    %dma_wait3A_169 = tpu.memref_slice %arg4[%dma_wait3A, %dma_wait3A_166, %dma_wait3A_161, %dma_wait3A_167, %dma_wait3A_168] : memref<200x8x128x8x128xf32, #tpu.memory_space<hbm>> -> memref<1x8x1x8x128xf32, #tpu.memory_space<hbm>>
    %dma_wait3A_170 = tpu.memref_squeeze %dma_wait3A_169 : memref<1x8x1x8x128xf32, #tpu.memory_space<hbm>> -> memref<8x8x128xf32, #tpu.memory_space<hbm>>
    %dma_wait3A_171 = arith.constant 0 : i32
    %dma_wait3A_172 = arith.constant 0 : i32
    %dma_wait3A_173 = arith.constant 0 : i32
    %dma_wait3A_174 = tpu.memref_slice %arg4[%dma_wait3A, %dma_wait3A_171, %dma_wait3A_161, %dma_wait3A_172, %dma_wait3A_173] : memref<200x8x128x8x128xf32, #tpu.memory_space<hbm>> -> memref<1x8x1x8x128xf32, #tpu.memory_space<hbm>>
    %dma_wait3A_175 = tpu.memref_squeeze %dma_wait3A_174 : memref<1x8x1x8x128xf32, #tpu.memory_space<hbm>> -> memref<8x8x128xf32, #tpu.memory_space<hbm>>
    %dma_wait3A_176 = arith.constant 0 : i32
    %dma_wait3A_177 = arith.constant 0 : i32
    %dma_wait3A_178 = arith.constant 0 : i32
    %dma_wait3A_179 = tpu.memref_slice %arg7[%dma_wait3A_176, %dma_wait3A_177, %dma_wait3A_178] : memref<8x8x129xf32, #tpu.memory_space<vmem>> -> memref<8x8x128xf32, #tpu.memory_space<vmem>>
    tpu.wait_dma2 semaphore(%arg10 : memref<!tpu.dma_semaphore, #tpu.memory_space<semaphore_mem>>) src(%dma_wait3A_179 : memref<8x8x128xf32, #tpu.memory_space<vmem>>) dst(%dma_wait3A_175 : memref<8x8x128xf32, #tpu.memory_space<hbm>>)
    %dma_wait3A_180 = arith.constant 0 : i32
    %dma_wait3A_181 = arith.constant 0 : i32
    %dma_wait3A_182 = arith.constant 0 : i32
    %dma_wait3A_183 = arith.constant 0 : i32
    %dma_wait3A_184 = arith.constant 0 : i32
    %dma_wait3A_185 = tpu.memref_slice %arg7[%dma_wait3A_182, %dma_wait3A_183, %dma_wait3A_184] : memref<8x8x129xf32, #tpu.memory_space<vmem>> -> memref<8x8x128xf32, #tpu.memory_space<vmem>>
    %dma_wait3A_186 = arith.constant 0 : i32
    %dma_wait3A_187 = arith.constant 0 : i32
    %dma_wait3A_188 = arith.constant 0 : i32
    %dma_wait3A_189 = tpu.memref_slice %arg4[%dma_wait3A_180, %dma_wait3A_186, %dma_wait3A_181, %dma_wait3A_187, %dma_wait3A_188] : memref<200x8x128x8x128xf32, #tpu.memory_space<hbm>> -> memref<1x8x1x8x128xf32, #tpu.memory_space<hbm>>
    %dma_wait3A_190 = tpu.memref_squeeze %dma_wait3A_189 : memref<1x8x1x8x128xf32, #tpu.memory_space<hbm>> -> memref<8x8x128xf32, #tpu.memory_space<hbm>>
    %dma_wait3A_191 = arith.constant 0 : i32
    %dma_wait3A_192 = arith.constant 0 : i32
    %dma_wait3A_193 = arith.constant 0 : i32
    %dma_wait3A_194 = tpu.memref_slice %arg4[%dma_wait3A_180, %dma_wait3A_191, %dma_wait3A_181, %dma_wait3A_192, %dma_wait3A_193] : memref<200x8x128x8x128xf32, #tpu.memory_space<hbm>> -> memref<1x8x1x8x128xf32, #tpu.memory_space<hbm>>
    %dma_wait3A_195 = tpu.memref_squeeze %dma_wait3A_194 : memref<1x8x1x8x128xf32, #tpu.memory_space<hbm>> -> memref<8x8x128xf32, #tpu.memory_space<hbm>>
    %dma_wait3A_196 = arith.constant 0 : i32
    %dma_wait3A_197 = arith.constant 0 : i32
    %dma_wait3A_198 = arith.constant 0 : i32
    %dma_wait3A_199 = tpu.memref_slice %arg7[%dma_wait3A_196, %dma_wait3A_197, %dma_wait3A_198] : memref<8x8x129xf32, #tpu.memory_space<vmem>> -> memref<8x8x128xf32, #tpu.memory_space<vmem>>
    tpu.wait_dma2 semaphore(%arg10 : memref<!tpu.dma_semaphore, #tpu.memory_space<semaphore_mem>>) src(%dma_wait3A_199 : memref<8x8x128xf32, #tpu.memory_space<vmem>>) dst(%dma_wait3A_195 : memref<8x8x128xf32, #tpu.memory_space<hbm>>)
    return
  }
}

</mosaic_0001>

<sc_bundles>
// kernel: kernel.3.cloned.1.call-start
scs
__scs_entry_jumppad:
0x0: {  	(pc) =	sbr.rel $0x88, $3  }
0x1: {  	(tag) =	ssettag $0x0;
	lr =	simm.s32 $0x1  }
0x2: {  	[smem:$0x3F9F] =	sst lr;
	_ =	strace $0xD0000000  }
0x3: {  	_ = 	snop  }
0x4: {  	_ = 	snop  }
0x5: {  	_ = 	snop  }
0x6: {  	_ = 	snop  }
0x7: {  	_ = 	snop  }
__scs_overlays_trampoline_lowered:
0x8: {  	[smem:$0x3FAE] =	sst s0  }
0x9: {  	[smem:$0x3FAF] =	sst s1  }
0xa: {  	[smem:$0x3FB0] =	sst s2  }
0xb: {  	[smem:$0x3FB1] =	sst s3  }
0xc: {  	[smem:$0x3FB2] =	sst s4  }
0xd: {  	[smem:$0x3FB3] =	sst s5  }
0xe: {  	[smem:$0x3FB4] =	sst s6  }
0xf: {  	[smem:$0x3FB5] =	sst s7  }
0x10: {  	[smem:$0x3FB6] =	sst s8  }
0x11: {  	[smem:$0x3FB7] =	sst s9;
	s0 =	simm.s32 @!p0 $0x0  }
0x12: {  	s1 =	sld [smem:$0x3F9D];
	s0 =	simm.s32 @p0 $0x1  }
0x13: {  	[smem:$0x3FB8] =	sst s0;
	s0 =	simm.s32 @!p1 $0x0  }
0x14: {  	s2 =	sld [smem:$0x3F9C];
	s0 =	simm.s32 @p1 $0x1  }
0x15: {  	[smem:$0x3FB9] =	sst s0;
	s0 =	simm.s32 @!p2 $0x0  }
0x16: {  	s3 =	sld [smem:$0x3FDB];
	s0 =	simm.s32 @p2 $0x1  }
0x17: {  	s4 =	simm.s32 $0x1BF5;
	[smem:$0x3FBB] =	sst s0  }
0x18: {  	s0 =	sld [smem:$0x3F9E];
	_ =	swait.ge [sflag:s4], $0x0  }
0x19: {  	s7 =	sld [smem:$0x3F9F]  }
0x1a: {  	s8 =	sadd.s32 $0xFFFFE003, lr  }
0x1b: {  	s9 =	sadd.s32 $0xFFFFFEF7, lr;
	s5 =	simm.s32 $0xFFFFFFFF;
	p2 =	slt.u32 s8, $0xFFFFF086  }
0x1c: {  	p1 =	slt.u32 s9, $0xF7A;
	s5 =	simm.s32 @!p2 $0x0  }
0x1d: {  	s5 =	simm.s32 @p1 $0x1;
	p0 =	seq.s32 s7, s2  }
0x1e: {  	s7 =	smul.u32 @!p0 $0xF7A, s2;
	p2 =	seq.s32 @!p0 s5, $0x0  }
0x1f: {  	s9 =	smul.u32 $0xF7A, s1;
	s8 =	simm.s32 @!p0 $0x1BF5;
	p2 =	por !p2, p0  }
0x20: {  	[sflag:s8] =	ssyncset.s32 @!p0 $0xFFFFF086;
	s6 =	sadd.s32 @!p0 s3, s7;
	s7 =	simm.s32 @!p0 $0x108  }
0x21: {  	s3 =	sadd.s32 s3, s9;
	s6 =	sadd.s32 @!p0 $0x88, s6;
	s7 =	simm.s32 @p2 $0x1082  }
0x22: {  	[simem:s7], [sflag:s8] =	dma.local @!p0 [hbm:s6], $0xF7A  }
0x23: {  	s9 =	sor.u32 $0xD0000000, s2;
	s6 =	simm.s32 $0x108;
	_ =	swait.ge @!p0 [sflag:s8], $0x0  }
0x24: {  	s3 =	sadd.s32 $0x88, s3;
	s6 =	simm.s32 @!p1 $0x1082;
	[sflag:s4] =	ssyncset.s32 $0xFFFFF086  }
0x25: {  	[simem:s6], [sflag:s4] =	dma.local [hbm:s3], $0xF7A  }
0x26: {  	[smem:$0x3F9F] =	sst s1;
	(tag) =	ssettag s2;
	_ =	strace s9  }
0x27: {  	s1 =	sld [smem:$0x3FAF]  }
0x28: {  	s2 =	sld [smem:$0x3FB0]  }
0x29: {  	s4 =	sld [smem:$0x3FB2]  }
0x2a: {  	p0 =	seq.s32 s5, $0x0;
	s5 =	sld [smem:$0x3FB3]  }
0x2b: {  	s6 =	sld [smem:$0x3FB4]  }
0x2c: {  	s7 =	sld [smem:$0x3FB5]  }
0x2d: {  	s3 =	simm.s32 $0x108;
	s8 =	sld [smem:$0x3FB6]  }
0x2e: {  	s3 =	simm.s32 @!p0 $0x1082;
	s9 =	sld [smem:$0x3FB7]  }
0x2f: {  	lr =	sadd.s32 s0, s3;
	s0 =	sld [smem:$0x3FAE]  }
0x30: {  	s3 =	sld [smem:$0x3FB1]  }
0x31: {  	[smem:$0x3FBA] =	sst s10  }
0x32: {  	s10 =	sld [smem:$0x3FB8];
	_ =	sdelay $0x3  }
0x33: {  	p0 =	seq.s32 s10, $0x1;
	s10 =	sld [smem:$0x3FBA];
	_ =	sdelay $0x3  }
0x34: {  	[smem:$0x3FBA] =	sst s10  }
0x35: {  	s10 =	sld [smem:$0x3FB9];
	_ =	sdelay $0x3  }
0x36: {  	p1 =	seq.s32 s10, $0x1;
	s10 =	sld [smem:$0x3FBA];
	_ =	sdelay $0x3  }
0x37: {  	[smem:$0x3FBA] =	sst s10  }
0x38: {  	s10 =	sld [smem:$0x3FBB]  }
0x39: {  	_ = 	snop;
	(pc) =	sbr.ind lr, $3  }
0x3a: {  	_ = 	snop  }
0x3b: {  	_ = 	snop  }
0x3c: {  	p2 =	seq.s32 s10, $0x1;
	s10 =	sld [smem:$0x3FBA]  }
0x3d: {  	_ =	shalt  }
0x3e: {  	_ =	shalt  }
0x3f: {  	_ =	shalt  }
0x40: {  	_ =	shalt  }
0x41: {  	_ =	shalt  }
0x42: {  	_ =	shalt  }
0x43: {  	_ =	shalt  }
0x44: {  	_ =	shalt  }
0x45: {  	_ =	shalt  }
0x46: {  	_ =	shalt  }
0x47: {  	_ =	shalt  }
0x48: {  	_ =	shalt  }
0x49: {  	_ =	shalt  }
0x4a: {  	_ =	shalt  }
0x4b: {  	_ =	shalt  }
0x4c: {  	_ =	shalt  }
0x4d: {  	_ =	shalt  }
0x4e: {  	_ =	shalt  }
0x4f: {  	_ =	shalt  }
0x50: {  	_ =	shalt  }
0x51: {  	_ =	shalt  }
0x52: {  	_ =	shalt  }
0x53: {  	_ =	shalt  }
0x54: {  	_ =	shalt  }
0x55: {  	_ =	shalt  }
0x56: {  	_ =	shalt  }
0x57: {  	_ =	shalt  }
0x58: {  	_ =	shalt  }
0x59: {  	_ =	shalt  }
0x5a: {  	_ =	shalt  }
0x5b: {  	_ =	shalt  }
0x5c: {  	_ =	shalt  }
0x5d: {  	_ =	shalt  }
0x5e: {  	_ =	shalt  }
0x5f: {  	_ =	shalt  }
0x60: {  	_ =	shalt  }
0x61: {  	_ =	shalt  }
0x62: {  	_ =	shalt  }
0x63: {  	_ =	shalt  }
0x64: {  	_ =	shalt  }
0x65: {  	_ =	shalt  }
0x66: {  	_ =	shalt  }
0x67: {  	_ =	shalt  }
0x68: {  	_ =	shalt  }
0x69: {  	_ =	shalt  }
0x6a: {  	_ =	shalt  }
0x6b: {  	_ =	shalt  }
0x6c: {  	_ =	shalt  }
0x6d: {  	_ =	shalt  }
0x6e: {  	_ =	shalt  }
0x6f: {  	_ =	shalt  }
0x70: {  	_ =	shalt  }
0x71: {  	_ =	shalt  }
0x72: {  	_ =	shalt  }
0x73: {  	_ =	shalt  }
0x74: {  	_ =	shalt  }
0x75: {  	_ =	shalt  }
0x76: {  	_ =	shalt  }
0x77: {  	_ =	shalt  }
0x78: {  	_ =	shalt  }
0x79: {  	_ =	shalt  }
0x7a: {  	_ =	shalt  }
0x7b: {  	_ =	shalt  }
0x7c: {  	_ =	shalt  }
0x7d: {  	_ =	shalt  }
0x7e: {  	_ =	shalt  }
0x7f: {  	_ =	shalt  }
0x80: {  	_ =	shalt  }
0x81: {  	_ =	shalt  }
0x82: {  	_ =	shalt  }
0x83: {  	_ =	shalt  }
0x84: {  	_ =	shalt  }
0x85: {  	_ =	shalt  }
0x86: {  	_ =	shalt  }
0x87: {  	_ =	shalt  }
.Lfunc_end0:
.L_simem_size_0:
called_computation_lowered:
.L_overlay_start_0:
0x88: {  	s2 =	sld [smem:$0x3FD9]  }
0x89: {  	s3 =	sld [smem:$0x3FFE];
	_ =	sdelay $0x1  }
0x8a: {  	s1 =	srdreg.scid  }
0x8b: {  	s0 =	sand.u32 $0x1, s1  }
0x8c: {  	s17 =	sshll.u32 s0, $0xA;
	s2 =	sadd.s32 s3, s2  }
0x8d: {  	s2 =	sadd.s32 s2, s17  }
0x8e: {  	[smem:$0x3FC6] =	sst s2  }
0x8f: {  	_ = 	snop  }
0x90: {  	s2 =	sld [smem:$0x3FC9]  }
0x91: {  	s18 =	sld [smem:$0x3FD0];
	(tm) =	ssettm $0x1  }
0x92: {  	s4 =	sld [smem:$0x3FFB];
	_ =	sdelay $0x3  }
0x93: {  	_ =	strace s4  }
0x94: {  	s4 =	sld [smem:$0x3FFC];
	_ =	sdelay $0x3  }
0x95: {  	_ =	strace s4  }
0x96: {  	s4 =	sld [smem:$0x3FFD];
	_ =	sdelay $0x3  }
0x97: {  	_ =	strace s4  }
0x98: {  	_ =	strace $0x8FFFFFFF  }
0x99: {  	s19 =	sld [smem:$0x3FDB];
	_ =	sdelay $0x1  }
0x9a: {  	s5 =	simm.s32 $_scs_section_size  }
0x9b: {  	s6 =	simm.s32 $_size__tile_overlayer_lowered;
	s7 =	simm.s32 $_tile_overlayer_lowered  }
0x9c: {  	s22 =	simm.s32 $0x1BFF;
	s21 =	sshll.u32 s7, $0x1;
	s4 =	sadd.s32 s5, s19  }
0x9d: {  	s8 =	simm.s32 $0x0;
	s20 =	sshll.u32 s6, $0x1;
	s6 =	sadd.s32 s21, s4  }
0x9e: {  	[timem:s8], [sflag:s22] =	dma.local [hbm:s6], s20  }
0x9f: {  	_ =	swait.ge [sflag:s22], s20  }
0xa0: {  	s5 =	ssub.s32 $0x0, s20;
	[sflag:s22] =	ssyncset.done $0x0  }
0xa1: {  	[sflag:s22] =	ssyncadd.s32 s5;
	_ =	sdelay $0x1  }
0xa2: {  	s23 =	simm.s32 $0x1B8B  }
0xa3: {  	_ =	swait.ge [sflag:s23], $0x1  }
0xa4: {  	[sflag:s23] =	ssyncset.done $0x0  }
0xa5: {  	s25 =	simm.s32 $0x1B8E;
	s24 =	sld [smem:$0x3FFE];
	[sflag:s23] =	ssyncadd.s32 $0xFFFFFFFF  }
0xa6: {  	s26 =	simm.s32 $execute0_lowered;
	[smem:$0x3FD2] =	sst s25  }
0xa7: {  	s6 =	sshll.u32 s26, $0x1;
	_ =	strace $0x80000046;
	[dreg:$0x1] =	wrdreg $0xFFFFFFFF  }
0xa8: {  	s28 =	simm.s32 $_size_execute0_lowered;
	s4 =	sadd.s32 s4, s6;
	[dreg:$0x0] =	wrdreg $0x0  }
0xa9: {  	s6 =	sshll.u32 s28, $0x1;
	[dreg:$0x2] =	wrdreg s4  }
0xaa: {  	[dreg:$0x3] =	wrdreg s6  }
0xab: {  	[dreg:$0x4] =	wrdreg $0xC0  }
0xac: {  	_ =	task [dreg:s8], $0x5FFFF  }
0xad: {  	[dreg:$0x1] =	wrdreg $0xFFFFFFFF  }
0xae: {  	[dreg:$0x0] =	wrdreg $0x60  }
0xaf: {  	[dreg:$0x2] =	wrdreg s2  }
0xb0: {  	[dreg:$0x3] =	wrdreg s24  }
0xb1: {  	[dreg:$0x4] =	wrdreg s18  }
0xb2: {  	[dreg:$0x5] =	wrdreg $0x9  }
0xb3: {  	_ =	task.clear_ibuf [dreg:s8], $0x6FFFF;
	_ =	strace $0x90000046  }
0xb4: {  	s29 =	simm.s32 $0x9;
	_ =	strace $0x80000048  }
0xb5: {  	_ =	swait.ge [sflag:s29], $0x1  }
0xb6: {  	[sflag:s29] =	ssyncadd.s32 $0xFFFFFFFF  }
0xb7: {  	_ =	strace $0x90000048  }
0xb8: {  	_ =	sfence  }
0xb9: {  	s30 =	sld [smem:$0x0];
	_ =	sdelay $0x2  }
0xba: {  	s31 =	sshll.u32 s1, $0xD;
	s1 =	sshrl.u32 s1, $0x2  }
0xbb: {  	s3 =	sand.u32 $0x4000, s31;
	s1 =	sadd.s32 s1, s30  }
0xbc: {  	s0 =	sor.u32 s3, s0;
	s1 =	sshll.u32 s1, $0x11  }
0xbd: {  	s0 =	sor.u32 s1, s0  }
0xbe: {  	s0 =	sadd.s32 $0x8F2B, s0  }
0xbf: {  	[sflag:s0] =	ssyncadd.remote.s32 $0x1  }
0xc0: {  	_ =	sfence.sel $0xFFFF  }
0xc1: {  	[dreg:$0x0] =	wrdreg $0xFFFFFFFF;
	(pc) =	sbr.abs _section_cstart, $3  }
0xc2: {  	[dreg:$0x1] =	wrdreg $0xFFFFFFFF  }
0xc3: {  	_ =	task.clear_ibuf [dreg:s8], $0x2FFFF;
	_ =	strace $0x9FFFFFFF  }
0xc4: {  	(tm) =	ssettm $0x7FFFFFFF  }
0xc5: {  	_ =	shalt  }
tec
execute0_lowered:
.L_overlay_start_1:
0x0: {  	(tag) =	ssettag $0x1  }
0x1: {  	v0 =	vlaneseq.u32  }
0x2: {  	v0 =	vmul.u32 $0x88, v0  }
0x3: {  	v1 =	vimm.s32 $0x0;
	vm0 =	vcmask $0x300  }
0x4: {  	s0 =	rddreg [dreg:$0x0];
	v1 =	vsel vm0, $0x3, v1;
	v2 =	vadd.s32 $0x880, v0  }
0x5: {  	s2 =	rddreg [dreg:$0x1];
	v3 =	vadd.s32 $0x1100, v0;
	v4 =	vadd.s32 $0x1980, v0;
	v5 =	vor.u32 $0x1, v0  }
0x6: {  	s1 =	rddreg [dreg:$0x2];
	s4 =	srdreg.scid;
	s3 =	simm.s32 $0x0;
	v6 =	vadd.s32 $0x881, v0;
	v7 =	vadd.s32 $0x1101, v0;
	v8 =	vadd.s32 $0x1981, v0  }
0x7: {  	s6 =	stileid.u32;
	s8 =	simm.s32 $0x3;
	s9 =	simm.s32 $0x80;
	v9 =	vor.u32 $0x2, v0;
	v10 =	vadd.s32 $0x882, v0;
	v11 =	vadd.s32 $0x1102, v0  }
0x8: {  	s21 =	simm.s32 $0xD000;
	s22 =	simm.s32 $0xC80;
	s23 =	simm.s32 $0xF000;
	v12 =	vadd.s32 $0x1982, v0;
	v13 =	vor.u32 $0x3, v0;
	v14 =	vadd.s32 $0x883, v0  }
0x9: {  	s24 =	simm.s32 $0x1;
	s25 =	simm.s32 $0x11000;
	s4 =	sand.u32 $0x1, s4;
	v15 =	vadd.s32 $0x1103, v0;
	v16 =	vadd.s32 $0x1983, v0;
	v17 =	vor.u32 $0x4, v0  }
0xa: {  	s26 =	simm.s32 $0x13200;
	s6 =	sshll.u32 s6, $0x3;
	s5 =	ssub.s32 $0x2, s4;
	v18 =	vadd.s32 $0x884, v0;
	v19 =	vadd.s32 $0x1104, v0;
	v20 =	vadd.s32 $0x1984, v0  }
0xb: {  	[smem:$0x7FF] =	sst s3;
	s4 =	sshll.u32 s4, $0x2;
	s7 =	sshrl.u32 s5, $0x1;
	v21 =	vor.u32 $0x5, v0;
	v22 =	vadd.s32 $0x885, v0;
	v23 =	vadd.s32 $0x1105, v0  }
0xc: {  	_ =	strace $0x80000047;
	s4 =	sor.u32 s4, s6;
	v24 =	vadd.s32 $0x1985, v0;
	v25 =	vor.u32 $0x6, v0;
	v26 =	vadd.s32 $0x886, v0;
	s7 =	ssub.s32 s5, s7  }
0xd: {  	v27 =	vadd.s32 $0x1106, v0;
	v28 =	vadd.s32 $0x1986, v0;
	v29 =	vor.u32 $0x7, v0;
	s6 =	sshll.u32 s4, $0x7;
	s5 =	sadd.s32 $0x400, s2;
	s31 =	smax.u32 s7, $0x1  }
0xe: {  	v30 =	vadd.s32 $0x887, v0;
	v31 =	vadd.s32 $0x1107, v0;
	v32 =	vadd.s32 $0x1987, v0;
	s6 =	sadd.s32 s0, s6;
	s7 =	simm.s32 $0x0;
	[dreg:$0x4] =	wrdreg s31  }
.LBB2_1:
0xf: {  	[dreg:$0x5] =	wrdreg s7;
	s29 =	simm.s32 $0x0;
	s31 =	simm.s32 $0x0  }
.LBB2_2:
0x10: {  	s0 =	sshll.u32 s31, $0xE  }
0x11: {  	s2 =	sadd.s32 s0, s6;
	s0 =	simm.s32 $0x0  }
0x12: {  	[tilespmem:s0], [sflag:$0x3] =	stream.linear.gather [hbm4b:s2+s0], $0x1000, $0x38;
	[tilespmem:$0x15400] =	vst v63  }
0x13: {  	_ =	swait.ge [sflag:s8], $0x1000  }
0x14: {  	[sflag:s8] =	ssyncset.done $0x0  }
0x15: {  	s11 =	simm.s32 $0x1000;
	[sflag:s8] =	ssyncadd.s32 $0xFFFFF000  }
0x16: {  	[tilespmem:s11], [sflag:$0x1] =	stream.indirect.gather [hbm4b:s5+s9], $0x40, s0, s9, $0xb8;
	[tilespmem:$0x15400] =	vst v63  }
0x17: {  	s12 =	simm.s32 $0x400;
	s7 =	simm.s32 $0x3000  }
0x18: {  	[tilespmem:s7], [sflag:$0x1] =	stream.indirect.gather [hbm4b:s5+s9], $0x40, s12, s9, $0xb8;
	[tilespmem:$0x15400] =	vst v63  }
0x19: {  	s13 =	simm.s32 $0x800;
	s14 =	simm.s32 $0x5000  }
0x1a: {  	[tilespmem:s14], [sflag:$0x1] =	stream.indirect.gather [hbm4b:s5+s9], $0x40, s13, s9, $0xb8;
	[tilespmem:$0x15400] =	vst v63  }
0x1b: {  	s15 =	simm.s32 $0xC00;
	s16 =	simm.s32 $0x7000  }
0x1c: {  	[tilespmem:s16], [sflag:$0x1] =	stream.indirect.gather [hbm4b:s5+s9], $0x40, s15, s9, $0xb8;
	[tilespmem:$0x15400] =	vst v63  }
0x1d: {  	s17 =	simm.s32 $0x9000  }
0x1e: {  	[tilespmem:s17], [sflag:$0x1] =	stream.indirect.gather [hbm4b:s5+s9], $0x40, s9, s9, $0xb8;
	[tilespmem:$0x15400] =	vst v63  }
0x1f: {  	s18 =	simm.s32 $0x480;
	s19 =	simm.s32 $0xB000  }
0x20: {  	[tilespmem:s19], [sflag:$0x1] =	stream.indirect.gather [hbm4b:s5+s9], $0x40, s18, s9, $0xb8;
	[tilespmem:$0x15400] =	vst v63  }
0x21: {  	s20 =	simm.s32 $0x880;
	s28 =	simm.s32 $0x0;
	s30 =	smov.u32 s29  }
0x22: {  	[tilespmem:s21], [sflag:$0x1] =	stream.indirect.gather [hbm4b:s5+s9], $0x40, s20, s9, $0xb8;
	[tilespmem:$0x15400] =	vst v63  }
0x23: {  	s10 =	simm.s32 $0x0;
	s2 =	sshll.u32 s31, $0x14;
	s7 =	simm.s32 $0x0  }
0x24: {  	[tilespmem:s23], [sflag:$0x1] =	stream.indirect.gather [hbm4b:s5+s9], $0x40, s22, s9, $0xb8;
	[tilespmem:$0x15400] =	vst v63  }
.LBB2_3:
0x25: {  	_ =	swait.ge [sflag:s24], $0x2000;
	s11 =	simm.s32 $0x1  }
0x26: {  	s12 =	simm.s32 $0x2;
	s19 =	simm.s32 $0x3;
	s20 =	simm.s32 $0x4;
	v34 =	vmov s11  }
0x27: {  	s13 =	simm.s32 $0x7;
	s14 =	simm.s32 $0x5;
	s15 =	simm.s32 $0x6;
	v35 =	vmov s12;
	v36 =	vmov s19;
	v37 =	vmov s20  }
0x28: {  	p0 =	slt.s32 s30, $0x2;
	[sflag:s24] =	ssyncset.done $0x0;
	v38 =	vmov s13;
	v39 =	vmov s14;
	v40 =	vmov s15  }
0x29: {  	s12 =	simm.s32 @!p0 $0x2;
	[sflag:s24] =	ssyncadd.s32 $0xFFFFE000;
	v38 =	vshrl.u32 v38, $0x3;
	v34 =	vshrl.u32 v34, $0x3;
	v35 =	vshrl.u32 v35, $0x3  }
0x2a: {  	s16 =	sand.u32 $0x3, s28;
	v36 =	vshrl.u32 v36, $0x3;
	v37 =	vshrl.u32 v37, $0x3;
	_ =	swait.ge @!p0 [sflag:s12], $0x2000;
	v38 =	vshll.u32 v38, v1  }
0x2b: {  	s17 =	sshll.u32 s16, $0xE;
	v62 =	vshrl.u32 v39, $0x3;
	v34 =	vshll.u32 v34, v1;
	[sflag:s12] =	ssyncset.done @!p0 $0x0;
	v38 =	vbroadcast v38, $0x0  }
0x2c: {  	s16 =	sor.u32 $0x1100, s17;
	v40 =	vshrl.u32 v40, $0x3;
	v59 =	vshll.u32 v35, v1;
	v48 =	vbroadcast v34, $0x0;
	[sflag:s12] =	ssyncadd.s32 @!p0 $0xFFFFE000  }
0x2d: {  	v60 =	vshll.u32 v36, v1;
	v54 =	vbroadcast v59, $0x0;
	v41 =	vld [tilespmem:s16+$0xC0];
	v42 =	vadd.s32 v29, v38  }
0x2e: {  	v61 =	vshll.u32 v37, v1;
	v35 =	vbroadcast v60, $0x0;
	v45 =	vld [tilespmem:s16+$0xFFFFFF40];
	v46 =	vadd.s32 v5, v48  }
0x2f: {  	v36 =	vshll.u32 v62, v1;
	v34 =	vbroadcast v61, $0x0;
	v47 =	vld [tilespmem:s16+$0xFFFFFF80];
	v49 =	vadd.s32 v9, v54  }
0x30: {  	v56 =	vshll.u32 v40, v1;
	v37 =	vbroadcast v36, $0x0;
	v63 =	vld [tilespmem:s16+$0xFFFFFFC0];
	v50 =	vadd.s32 v13, v35  }
0x31: {  	v33 =	vmov s0;
	v36 =	vbroadcast v56, $0x0;
	v51 =	vld [tilespmem:s16+$0x0];
	v52 =	vadd.s32 v17, v34  }
0x32: {  	v33 =	vshrl.u32 v33, $0x3;
	v58 =	vld [tilespmem:s16+$0x40];
	v59 =	vadd.s32 v21, v37;
	[tilespmem:v42+s25+$0x0] =	vst.idx.msk $0xffff, v41  }
0x33: {  	v33 =	vshll.u32 v33, v1;
	v60 =	vld [tilespmem:s16+$0x80];
	v61 =	vadd.s32 v25, v36;
	[tilespmem:v46+s25+$0x0] =	vst.idx.msk $0xffff, v45  }
0x34: {  	v33 =	vbroadcast v33, $0x0;
	v57 =	vadd.s32 v30, v38;
	[tilespmem:v49+s25+$0x0] =	vst.idx.msk $0xffff, v47;
	v40 =	vld [tilespmem:s16+$0xD0]  }
0x35: {  	v55 =	vadd.s32 v10, v54;
	[tilespmem:v50+s25+$0x0] =	vst.idx.msk $0xffff, v63;
	v63 =	vld [tilespmem:s16+$0xFFFFFF90]  }
0x36: {  	v44 =	vadd.s32 v0, v33;
	v43 =	vld [tilespmem:s16+$0xFFFFFF00];
	[tilespmem:v52+s25+$0x0] =	vst.idx.msk $0xffff, v51  }
0x37: {  	v62 =	vadd.s32 v6, v48;
	[tilespmem:v59+s25+$0x0] =	vst.idx.msk $0xffff, v58;
	v46 =	vld [tilespmem:s16+$0xFFFFFF50]  }
0x38: {  	v56 =	vadd.s32 v14, v35;
	[tilespmem:v61+s25+$0x0] =	vst.idx.msk $0xffff, v60;
	v50 =	vld [tilespmem:s16+$0xFFFFFFD0]  }
0x39: {  	v59 =	vadd.s32 v18, v34;
	v58 =	vld [tilespmem:s16+$0x10];
	[tilespmem:v57+s25+$0x0] =	vst.idx.msk $0xffff, v40  }
0x3a: {  	v60 =	vadd.s32 v26, v36;
	[tilespmem:v55+s25+$0x0] =	vst.idx.msk $0xffff, v63;
	v63 =	vld [tilespmem:s16+$0x90]  }
0x3b: {  	[tilespmem:v44+s25+$0x0] =	vst.idx.msk $0xffff, v43;
	v57 =	vadd.s32 v31, v38;
	v40 =	vld [tilespmem:s16+$0xE0]  }
0x3c: {  	v45 =	vadd.s32 v22, v37;
	v44 =	vld [tilespmem:s16+$0x50];
	[tilespmem:v62+s25+$0x0] =	vst.idx.msk $0xffff, v46  }
0x3d: {  	v61 =	vld [tilespmem:s16+$0xFFFFFF10];
	v62 =	vadd.s32 v2, v33;
	[tilespmem:v56+s25+$0x0] =	vst.idx.msk $0xffff, v50  }
0x3e: {  	v51 =	vadd.s32 v7, v48;
	[tilespmem:v59+s25+$0x0] =	vst.idx.msk $0xffff, v58;
	v50 =	vld [tilespmem:s16+$0xFFFFFF60]  }
0x3f: {  	v56 =	vadd.s32 v11, v54;
	v55 =	vld [tilespmem:s16+$0xFFFFFFA0];
	[tilespmem:v60+s25+$0x0] =	vst.idx.msk $0xffff, v63  }
0x40: {  	s18 =	sand.u32 $0x7, s7;
	v59 =	vld [tilespmem:s16+$0x20];
	v60 =	vadd.s32 v19, v34;
	[tilespmem:v57+s25+$0x0] =	vst.idx.msk $0xffff, v40  }
0x41: {  	s19 =	sshll.u32 s18, $0xD;
	v38 =	vadd.s32 v32, v38;
	[tilespmem:v45+s25+$0x0] =	vst.idx.msk $0xffff, v44;
	v52 =	vld [tilespmem:s16+$0xF0]  }
0x42: {  	s11 =	sshll.u32 s10, $0x1;
	s20 =	simm.s32 $0x8;
	s15 =	simm.s32 $0x9;
	v58 =	vadd.s32 v15, v35;
	[tilespmem:v62+s25+$0x0] =	vst.idx.msk $0xffff, v61;
	v57 =	vld [tilespmem:s16+$0xFFFFFFE0]  }
0x43: {  	s12 =	sadd.s32 $0x31F0, s19;
	s19 =	simm.s32 $0xC;
	v41 =	vadd.s32 v23, v37;
	v49 =	vmov s15;
	s15 =	simm.s32 $0xA;
	[tilespmem:v51+s25+$0x0] =	vst.idx.msk $0xffff, v50;
	v40 =	vld [tilespmem:s16+$0x60]  }
0x44: {  	s18 =	simm.s32 $0xB;
	s14 =	sand.u32 $0x2, s11;
	s17 =	sshll.u32 s10, $0xE;
	v43 =	vadd.s32 v27, v36;
	v47 =	vmov s19;
	v53 =	vmov s15;
	v42 =	vld [tilespmem:s16+$0xA0];
	[tilespmem:v56+s25+$0x0] =	vst.idx.msk $0xffff, v55  }
0x45: {  	s13 =	sor.u32 s4, s14;
	s17 =	sand.u32 $0xC000, s17;
	v44 =	vmov s18;
	v46 =	vadd.s32 v3, v33;
	v63 =	vmov s20;
	v45 =	vld [tilespmem:s16+$0xFFFFFF20];
	[tilespmem:v60+s25+$0x0] =	vst.idx.msk $0xffff, v59  }
0x46: {  	s14 =	sor.u32 $0x1000, s17;
	s18 =	simm.s32 $0xD;
	v54 =	vadd.s32 v12, v54;
	s20 =	simm.s32 $0xE;
	v39 =	vshrl.u32 v63, $0x3;
	v50 =	vld [tilespmem:s16+$0xFFFFFF70];
	[tilespmem:v38+s25+$0x0] =	vst.idx.msk $0xffff, v52;
	v52 =	vadd.s32 v8, v48  }
0x47: {  	s17 =	simm.s32 $0x10;
	s15 =	sshll.u32 s10, $0x10;
	v51 =	vld [tilespmem:s16+$0xFFFFFFB0];
	[tilespmem:v58+s25+$0x0] =	vst.idx.msk $0xffff, v57;
	v38 =	vmov s18;
	v48 =	vshll.u32 v39, v1;
	v39 =	vmov s20;
	s18 =	simm.s32 $0xF  }
.LBB2_4:
0x48: {  	p0 =	slt.u32 s17, $0x78;
	v49 =	vshrl.u32 v49, $0x3;
	v55 =	vmov s18;
	v56 =	vld [tilespmem:s16+$0xFFFFFFF0];
	v35 =	vadd.s32 v16, v35;
	[tilespmem:v41+s25+$0x0] =	vst.idx.msk $0xffff, v40  }
0x49: {  	v40 =	vshrl.u32 v53, $0x3;
	v34 =	vadd.s32 v20, v34;
	v41 =	vshrl.u32 v55, $0x3;
	v53 =	vld [tilespmem:s16+$0x30];
	[tilespmem:v43+s25+$0x0] =	vst.idx.msk $0xffff, v42  }
0x4a: {  	v37 =	vadd.s32 v24, v37;
	v42 =	vshrl.u32 v44, $0x3;
	v41 =	vshll.u32 v41, v1;
	[tilespmem:v46+s25+$0x0] =	vst.idx.msk $0xffff, v45;
	v43 =	vld [tilespmem:s16+$0x70]  }
0x4b: {  	v36 =	vadd.s32 v28, v36;
	v44 =	vshrl.u32 v47, $0x3;
	v41 =	vbroadcast v41, $0x0;
	[tilespmem:v52+s25+$0x0] =	vst.idx.msk $0xffff, v50;
	v45 =	vld [tilespmem:s16+$0xB0]  }
0x4c: {  	v46 =	vshll.u32 v49, v1;
	v49 =	vadd.s32 v4, v33;
	v33 =	vbroadcast v48, $0x0;
	v47 =	vld [tilespmem:s16+$0xFFFFFF30];
	[tilespmem:v54+s25+$0x0] =	vst.idx.msk $0xffff, v51;
	s16 =	sadd.s32 $0x200, s16  }
0x4d: {  	v40 =	vshll.u32 v40, v1;
	v48 =	vbroadcast v46, $0x0;
	v46 =	vld [tilespmem:s16+$0xC0];
	v50 =	vadd.s32 v29, v41;
	[tilespmem:v35+s25+$0x0] =	vst.idx.msk $0xffff, v56  }
0x4e: {  	v52 =	vadd.s32 v0, v33;
	v54 =	vbroadcast v40, $0x0;
	v35 =	vshll.u32 v42, v1;
	v51 =	vld [tilespmem:s16+$0xFFFFFF00];
	[tilespmem:v34+s25+$0x0] =	vst.idx.msk $0xffff, v53  }
0x4f: {  	v42 =	vadd.s32 v5, v48;
	v35 =	vbroadcast v35, $0x0;
	v34 =	vshll.u32 v44, v1;
	v40 =	vld [tilespmem:s16+$0xFFFFFF40];
	[tilespmem:v37+s25+$0x0] =	vst.idx.msk $0xffff, v43  }
0x50: {  	v44 =	vadd.s32 v9, v54;
	v34 =	vbroadcast v34, $0x0;
	v37 =	vshrl.u32 v38, $0x3;
	v43 =	vld [tilespmem:s16+$0xFFFFFF80];
	[tilespmem:v36+s25+$0x0] =	vst.idx.msk $0xffff, v45  }
0x51: {  	v39 =	vshrl.u32 v39, $0x3;
	v45 =	vadd.s32 v13, v35;
	v36 =	vshll.u32 v37, v1;
	v38 =	vld [tilespmem:s16+$0xFFFFFFC0];
	[tilespmem:v49+s25+$0x0] =	vst.idx.msk $0xffff, v47  }
0x52: {  	v49 =	vadd.s32 v17, v34;
	v37 =	vbroadcast v36, $0x0;
	v36 =	vshll.u32 v39, v1;
	v47 =	vld [tilespmem:s16+$0x0];
	[tilespmem:v50+s25+$0x0] =	vst.idx.msk $0xffff, v46  }
0x53: {  	v36 =	vbroadcast v36, $0x0;
	v46 =	vadd.s32 v30, v41;
	[tilespmem:v52+s25+$0x0] =	vst.idx.msk $0xffff, v51;
	v39 =	vld [tilespmem:s16+$0xD0]  }
0x54: {  	[tilespmem:v42+s25+$0x0] =	vst.idx.msk $0xffff, v40;
	v40 =	vld [tilespmem:s16+$0x40];
	v42 =	vadd.s32 v21, v37  }
0x55: {  	[tilespmem:v44+s25+$0x0] =	vst.idx.msk $0xffff, v43;
	v43 =	vld [tilespmem:s16+$0x80];
	v44 =	vadd.s32 v25, v36  }
0x56: {  	v51 =	vadd.s32 v6, v48;
	v50 =	vld [tilespmem:s16+$0xFFFFFF50];
	[tilespmem:v45+s25+$0x0] =	vst.idx.msk $0xffff, v38  }
0x57: {  	v45 =	vadd.s32 v10, v54;
	v38 =	vld [tilespmem:s16+$0xFFFFFF90];
	[tilespmem:v49+s25+$0x0] =	vst.idx.msk $0xffff, v47  }
0x58: {  	v49 =	vadd.s32 v14, v35;
	v47 =	vld [tilespmem:s16+$0xFFFFFFD0];
	[tilespmem:v46+s25+$0x0] =	vst.idx.msk $0xffff, v39  }
0x59: {  	[tilespmem:v42+s25+$0x0] =	vst.idx.msk $0xffff, v40;
	v39 =	vld [tilespmem:s16+$0xE0];
	v40 =	vadd.s32 v31, v41  }
0x5a: {  	v46 =	vadd.s32 v18, v34;
	v42 =	vld [tilespmem:s16+$0x10];
	[tilespmem:v44+s25+$0x0] =	vst.idx.msk $0xffff, v43  }
0x5b: {  	v44 =	vadd.s32 v22, v37;
	[tilespmem:v51+s25+$0x0] =	vst.idx.msk $0xffff, v50;
	v43 =	vld [tilespmem:s16+$0x50]  }
0x5c: {  	[tilespmem:v45+s25+$0x0] =	vst.idx.msk $0xffff, v38;
	v38 =	vld [tilespmem:s16+$0x90];
	v45 =	vadd.s32 v26, v36  }
0x5d: {  	v51 =	vadd.s32 v2, v33;
	v50 =	vld [tilespmem:s16+$0xFFFFFF10];
	[tilespmem:v49+s25+$0x0] =	vst.idx.msk $0xffff, v47  }
0x5e: {  	v49 =	vadd.s32 v7, v48;
	v47 =	vld [tilespmem:s16+$0xFFFFFF60];
	[tilespmem:v40+s25+$0x0] =	vst.idx.msk $0xffff, v39  }
0x5f: {  	[tilespmem:v46+s25+$0x0] =	vst.idx.msk $0xffff, v42;
	v39 =	vld [tilespmem:s16+$0xF0];
	v46 =	vadd.s32 v32, v41  }
0x60: {  	v55 =	vadd.s32 v11, v54;
	v52 =	vld [tilespmem:s16+$0xFFFFFFA0];
	[tilespmem:v44+s25+$0x0] =	vst.idx.msk $0xffff, v43  }
0x61: {  	v57 =	vadd.s32 v15, v35;
	v56 =	vld [tilespmem:s16+$0xFFFFFFE0];
	[tilespmem:v45+s25+$0x0] =	vst.idx.msk $0xffff, v38  }
0x62: {  	v59 =	vadd.s32 v19, v34;
	[tilespmem:v51+s25+$0x0] =	vst.idx.msk $0xffff, v50;
	v58 =	vld [tilespmem:s16+$0x20]  }
.Ltmp0:
0x63: {  	s18 =	sadd.s32 $0x1, s17;
	v41 =	vadd.s32 v23, v37;
	v38 =	vmov s17;
	[tilespmem:v49+s25+$0x0] =	vst.idx.msk $0xffff, v47;
	v40 =	vld [tilespmem:s16+$0x60];
	(pc) =	sbr.rel @p0 .LBB2_4-.Ltmp0, $4  }
0x64: {  	s19 =	sadd.s32 $0x3, s17;
	v43 =	vadd.s32 v27, v36;
	v51 =	vshrl.u32 v38, $0x3;
	v49 =	vmov s18;
	s18 =	sadd.s32 $0x2, s17;
	v42 =	vld [tilespmem:s16+$0xA0];
	[tilespmem:v46+s25+$0x0] =	vst.idx.msk $0xffff, v39  }
0x65: {  	v44 =	vmov s19;
	s19 =	sadd.s32 $0x5, s17;
	v53 =	vmov s18;
	s18 =	sadd.s32 $0x4, s17;
	v46 =	vadd.s32 v3, v33;
	v45 =	vld [tilespmem:s16+$0xFFFFFF20];
	[tilespmem:v55+s25+$0x0] =	vst.idx.msk $0xffff, v52  }
0x66: {  	v38 =	vmov s19;
	v47 =	vmov s18;
	s18 =	sadd.s32 $0x6, s17;
	v52 =	vadd.s32 v8, v48;
	v50 =	vld [tilespmem:s16+$0xFFFFFF70];
	[tilespmem:v57+s25+$0x0] =	vst.idx.msk $0xffff, v56  }
0x67: {  	v54 =	vadd.s32 v12, v54;
	v48 =	vshll.u32 v51, v1;
	v39 =	vmov s18;
	s18 =	sadd.s32 $0x7, s17;
	s17 =	sadd.s32 $0x8, s17;
	v51 =	vld [tilespmem:s16+$0xFFFFFFB0];
	[tilespmem:v59+s25+$0x0] =	vst.idx.msk $0xffff, v58  }
0x68: {  	_ =	sdelay $0x2  }
0x69: {  	v49 =	vshrl.u32 v49, $0x3  }
0x6a: {  	v55 =	vmov s18;
	v56 =	vld [tilespmem:s16+$0xFFFFFFF0];
	v35 =	vadd.s32 v16, v35;
	[tilespmem:v41+s25+$0x0] =	vst.idx.msk $0xffff, v40;
	v40 =	vshrl.u32 v53, $0x3  }
0x6b: {  	v57 =	vld [tilespmem:s16+$0x30];
	v34 =	vadd.s32 v20, v34;
	v58 =	vshrl.u32 v44, $0x3;
	v63 =	vshrl.u32 v55, $0x3;
	[tilespmem:v43+s25+$0x0] =	vst.idx.msk $0xffff, v42  }
0x6c: {  	v37 =	vadd.s32 v24, v37;
	v60 =	vshrl.u32 v47, $0x3;
	v59 =	vld [tilespmem:s16+$0x70];
	v41 =	vshll.u32 v63, v1;
	[tilespmem:v46+s25+$0x0] =	vst.idx.msk $0xffff, v45  }
0x6d: {  	v36 =	vadd.s32 v28, v36;
	v33 =	vadd.s32 v4, v33;
	v61 =	vld [tilespmem:s16+$0xB0];
	v41 =	vbroadcast v41, $0x0;
	[tilespmem:v52+s25+$0x0] =	vst.idx.msk $0xffff, v50  }
0x6e: {  	s19 =	sadd.s32 $0x200, s16;
	v38 =	vshrl.u32 v38, $0x3;
	v62 =	vshll.u32 v49, v1;
	v46 =	vbroadcast v48, $0x0;
	v63 =	vld [tilespmem:s16+$0xFFFFFF30];
	[tilespmem:v54+s25+$0x0] =	vst.idx.msk $0xffff, v51  }
0x6f: {  	v40 =	vshll.u32 v40, v1;
	v49 =	vld [tilespmem:s19+$0xC0];
	v47 =	vbroadcast v62, $0x0;
	v50 =	vadd.s32 v29, v41;
	[tilespmem:v35+s25+$0x0] =	vst.idx.msk $0xffff, v56  }
0x70: {  	v42 =	vshll.u32 v58, v1;
	v40 =	vbroadcast v40, $0x0;
	v35 =	vld [tilespmem:s19+$0xFFFFFF00];
	v56 =	vadd.s32 v0, v46;
	[tilespmem:v34+s25+$0x0] =	vst.idx.msk $0xffff, v57  }
0x71: {  	v44 =	vshll.u32 v60, v1;
	v42 =	vbroadcast v42, $0x0;
	v58 =	vadd.s32 v5, v47;
	v57 =	vld [tilespmem:s19+$0xFFFFFF40];
	[tilespmem:v37+s25+$0x0] =	vst.idx.msk $0xffff, v59  }
0x72: {  	v38 =	vshll.u32 v38, v1;
	v44 =	vbroadcast v44, $0x0;
	v60 =	vadd.s32 v9, v40;
	v59 =	vld [tilespmem:s19+$0xFFFFFF80];
	[tilespmem:v36+s25+$0x0] =	vst.idx.msk $0xffff, v61  }
0x73: {  	v38 =	vbroadcast v38, $0x0;
	v62 =	vadd.s32 v13, v42;
	v61 =	vld [tilespmem:s19+$0xFFFFFFC0];
	[tilespmem:v33+s25+$0x0] =	vst.idx.msk $0xffff, v63  }
0x74: {  	v39 =	vshrl.u32 v39, $0x3;
	v33 =	vld [tilespmem:s19+$0x0];
	v63 =	vadd.s32 v17, v44;
	[tilespmem:v50+s25+$0x0] =	vst.idx.msk $0xffff, v49  }
0x75: {  	v39 =	vshll.u32 v39, v1;
	v34 =	vld [tilespmem:s19+$0x40];
	[tilespmem:v56+s25+$0x0] =	vst.idx.msk $0xffff, v35;
	v56 =	vadd.s32 v21, v38  }
0x76: {  	v35 =	vbroadcast v39, $0x0;
	v49 =	vadd.s32 v30, v41;
	[tilespmem:v58+s25+$0x0] =	vst.idx.msk $0xffff, v57;
	v39 =	vld [tilespmem:s19+$0xD0]  }
0x77: {  	[tilespmem:v60+s25+$0x0] =	vst.idx.msk $0xffff, v59;
	v59 =	vld [tilespmem:s19+$0xFFFFFF50];
	v60 =	vadd.s32 v6, v47  }
0x78: {  	v57 =	vld [tilespmem:s19+$0x80];
	v58 =	vadd.s32 v25, v35;
	[tilespmem:v62+s25+$0x0] =	vst.idx.msk $0xffff, v61  }
0x79: {  	v61 =	vld [tilespmem:s19+$0xFFFFFF90];
	v62 =	vadd.s32 v10, v40;
	[tilespmem:v63+s25+$0x0] =	vst.idx.msk $0xffff, v33  }
0x7a: {  	v33 =	vld [tilespmem:s19+$0xFFFFFFD0];
	v63 =	vadd.s32 v14, v42;
	[tilespmem:v56+s25+$0x0] =	vst.idx.msk $0xffff, v34  }
0x7b: {  	v56 =	vadd.s32 v18, v44;
	[tilespmem:v49+s25+$0x0] =	vst.idx.msk $0xffff, v39;
	v49 =	vld [tilespmem:s19+$0x10]  }
0x7c: {  	v39 =	vadd.s32 v31, v41;
	[tilespmem:v60+s25+$0x0] =	vst.idx.msk $0xffff, v59;
	v34 =	vld [tilespmem:s19+$0xE0]  }
0x7d: {  	[tilespmem:v58+s25+$0x0] =	vst.idx.msk $0xffff, v57;
	v57 =	vld [tilespmem:s19+$0x50];
	v58 =	vadd.s32 v22, v38  }
0x7e: {  	[tilespmem:v62+s25+$0x0] =	vst.idx.msk $0xffff, v61;
	v61 =	vld [tilespmem:s19+$0xFFFFFF10];
	v62 =	vadd.s32 v2, v46  }
0x7f: {  	v60 =	vadd.s32 v26, v35;
	v59 =	vld [tilespmem:s19+$0x90];
	[tilespmem:v63+s25+$0x0] =	vst.idx.msk $0xffff, v33  }
0x80: {  	v53 =	vadd.s32 v7, v47;
	v63 =	vld [tilespmem:s19+$0xFFFFFF60];
	[tilespmem:v56+s25+$0x0] =	vst.idx.msk $0xffff, v49  }
0x81: {  	v55 =	vadd.s32 v11, v40;
	v54 =	vadd.s32 v32, v41;
	v41 =	vld [tilespmem:s19+$0xFFFFFFA0];
	[tilespmem:v39+s25+$0x0] =	vst.idx.msk $0xffff, v34  }
0x82: {  	v56 =	vld [tilespmem:s19+$0xFFFFFFE0];
	[tilespmem:v58+s25+$0x0] =	vst.idx.msk $0xffff, v57;
	v57 =	vadd.s32 v15, v42  }
0x83: {  	[tilespmem:v62+s25+$0x0] =	vst.idx.msk $0xffff, v61;
	v34 =	vld [tilespmem:s19+$0xF0]  }
0x84: {  	v58 =	vld [tilespmem:s19+$0x20];
	[tilespmem:v60+s25+$0x0] =	vst.idx.msk $0xffff, v59;
	v59 =	vadd.s32 v19, v44  }
0x85: {  	v61 =	vadd.s32 v23, v38;
	[tilespmem:v53+s25+$0x0] =	vst.idx.msk $0xffff, v63;
	v60 =	vld [tilespmem:s19+$0x60]  }
0x86: {  	v63 =	vadd.s32 v27, v35;
	[tilespmem:v55+s25+$0x0] =	vst.idx.msk $0xffff, v41;
	v62 =	vld [tilespmem:s19+$0xA0]  }
0x87: {  	v47 =	vadd.s32 v8, v47;
	v55 =	vld [tilespmem:s19+$0xFFFFFF70];
	[tilespmem:v57+s25+$0x0] =	vst.idx.msk $0xffff, v56  }
0x88: {  	v53 =	vld [tilespmem:s19+$0xFFFFFF20];
	[tilespmem:v54+s25+$0x0] =	vst.idx.msk $0xffff, v34;
	v54 =	vadd.s32 v3, v46  }
0x89: {  	v40 =	vadd.s32 v12, v40;
	v56 =	vld [tilespmem:s19+$0xFFFFFFB0];
	[tilespmem:v59+s25+$0x0] =	vst.idx.msk $0xffff, v58  }
0x8a: {  	v42 =	vadd.s32 v16, v42;
	v57 =	vld [tilespmem:s19+$0xFFFFFFF0];
	[tilespmem:v61+s25+$0x0] =	vst.idx.msk $0xffff, v60  }
0x8b: {  	v59 =	vadd.s32 v20, v44;
	v58 =	vld [tilespmem:s19+$0x30];
	[tilespmem:v63+s25+$0x0] =	vst.idx.msk $0xffff, v62  }
0x8c: {  	v38 =	vadd.s32 v24, v38;
	v60 =	vld [tilespmem:s19+$0x70];
	[tilespmem:v47+s25+$0x0] =	vst.idx.msk $0xffff, v55  }
0x8d: {  	v35 =	vadd.s32 v28, v35;
	v61 =	vld [tilespmem:s19+$0xB0];
	[tilespmem:v54+s25+$0x0] =	vst.idx.msk $0xffff, v53  }
0x8e: {  	v63 =	vadd.s32 v4, v46;
	[tilespmem:v40+s25+$0x0] =	vst.idx.msk $0xffff, v56;
	v62 =	vld [tilespmem:s19+$0xFFFFFF30]  }
0x8f: {  	[tilespmem:v42+s25+$0x0] =	vst.idx.msk $0xffff, v57  }
0x90: {  	s15 =	sand.u32 $0xE0000, s15;
	[tilespmem:v59+s25+$0x0] =	vst.idx.msk $0xffff, v58  }
0x91: {  	s15 =	sor.u32 s2, s15;
	[tilespmem:v38+s25+$0x0] =	vst.idx.msk $0xffff, v60  }
0x92: {  	s20 =	sshll.u32 s13, $0x7;
	s13 =	sadd.s32 s1, s15;
	[tilespmem:v35+s25+$0x0] =	vst.idx.msk $0xffff, v61  }
0x93: {  	s17 =	simm.s32 $0x11000;
	s16 =	sadd.s32 s20, s13;
	[tilespmem:v63+s25+$0x0] =	vst.idx.msk $0xffff, v62  }
0x94: {  	[hbm4b:s16+s3] =	stream.linear.scatter [tilespmem:s17], [sflag:$0x2], $0x80, $0x38;
	[tilespmem:$0x15400] =	vst v63  }
0x95: {  	s18 =	simm.s32 $0x11088;
	s17 =	sadd.s32 $0x10, s16  }
0x96: {  	[hbm4b:s17+s3] =	stream.linear.scatter [tilespmem:s18], [sflag:$0x2], $0x80, $0x38;
	[tilespmem:$0x15400] =	vst v63  }
0x97: {  	s20 =	sadd.s32 $0x20, s16;
	s19 =	simm.s32 $0x11110  }
0x98: {  	[hbm4b:s20+s3] =	stream.linear.scatter [tilespmem:s19], [sflag:$0x2], $0x80, $0x38;
	[tilespmem:$0x15400] =	vst v63  }
0x99: {  	s17 =	simm.s32 $0x11198;
	s18 =	sadd.s32 $0x30, s16  }
0x9a: {  	[hbm4b:s18+s3] =	stream.linear.scatter [tilespmem:s17], [sflag:$0x2], $0x80, $0x38;
	[tilespmem:$0x15400] =	vst v63  }
0x9b: {  	s19 =	simm.s32 $0x11220;
	s20 =	sadd.s32 $0x40, s16  }
0x9c: {  	[hbm4b:s20+s3] =	stream.linear.scatter [tilespmem:s19], [sflag:$0x2], $0x80, $0x38;
	[tilespmem:$0x15400] =	vst v63  }
0x9d: {  	s15 =	simm.s32 $0x440;
	s17 =	simm.s32 $0x112A8;
	s18 =	sadd.s32 $0x50, s16  }
0x9e: {  	[hbm4b:s18+s3] =	stream.linear.scatter [tilespmem:s17], [sflag:$0x2], $0x80, $0x38;
	[tilespmem:$0x15400] =	vst v63  }
0x9f: {  	s19 =	simm.s32 $0x11330;
	s20 =	sadd.s32 $0x60, s16;
	s17 =	simm.s32 $0x2200  }
0xa0: {  	[hbm4b:s20+s3] =	stream.linear.scatter [tilespmem:s19], [sflag:$0x2], $0x80, $0x38;
	[tilespmem:$0x15400] =	vst v63  }
0xa1: {  	s18 =	simm.s32 $0x113B8;
	s19 =	sadd.s32 $0x70, s16;
	s16 =	sadd.s32 $0x4000, s16  }
.LBB2_6:
0xa2: {  	[hbm4b:s19+s3] =	stream.linear.scatter [tilespmem:s18], [sflag:$0x2], $0x80, $0x38;
	[tilespmem:$0x15400] =	vst v63  }
0xa3: {  	s18 =	smov.u32 s15;
	s15 =	smov.u32 s17  }
0xa4: {  	s20 =	sadd.s32 $0x1100, s17;
	s15 =	sshra.s32 s15, $0x2;
	s19 =	sadd.s32 $0x11000, s18  }
0xa5: {  	[hbm4b:s16+s3] =	stream.linear.scatter [tilespmem:s19], [sflag:$0x2], $0x80, $0x38;
	[tilespmem:$0x15400] =	vst v63  }
0xa6: {  	p0 =	sne.s32 s17, $0x7700;
	s17 =	sadd.s32 $0x11088, s18;
	s19 =	sadd.s32 $0x10, s16  }
0xa7: {  	[hbm4b:s19+s3] =	stream.linear.scatter [tilespmem:s17], [sflag:$0x2], $0x80, $0x38;
	[tilespmem:$0x15400] =	vst v63  }
0xa8: {  	s17 =	sadd.s32 $0x11110, s18;
	s19 =	sadd.s32 $0x20, s16  }
0xa9: {  	[hbm4b:s19+s3] =	stream.linear.scatter [tilespmem:s17], [sflag:$0x2], $0x80, $0x38;
	[tilespmem:$0x15400] =	vst v63  }
0xaa: {  	s17 =	sadd.s32 $0x11198, s18;
	s19 =	sadd.s32 $0x30, s16  }
0xab: {  	[hbm4b:s19+s3] =	stream.linear.scatter [tilespmem:s17], [sflag:$0x2], $0x80, $0x38;
	[tilespmem:$0x15400] =	vst v63  }
0xac: {  	s17 =	sadd.s32 $0x11220, s18;
	s19 =	sadd.s32 $0x40, s16  }
0xad: {  	[hbm4b:s19+s3] =	stream.linear.scatter [tilespmem:s17], [sflag:$0x2], $0x80, $0x38;
	[tilespmem:$0x15400] =	vst v63  }
.Ltmp1:
0xae: {  	s17 =	sadd.s32 $0x112A8, s18;
	s19 =	sadd.s32 $0x50, s16;
	(pc) =	sbr.rel @p0 .LBB2_6-.Ltmp1, $4  }
0xaf: {  	[hbm4b:s19+s3] =	stream.linear.scatter [tilespmem:s17], [sflag:$0x2], $0x80, $0x38;
	[tilespmem:$0x15400] =	vst v63  }
0xb0: {  	s17 =	sadd.s32 $0x11330, s18;
	s19 =	sadd.s32 $0x60, s16;
	s18 =	sadd.s32 $0x113B8, s18  }
0xb1: {  	[hbm4b:s19+s3] =	stream.linear.scatter [tilespmem:s17], [sflag:$0x2], $0x80, $0x38;
	[tilespmem:$0x15400] =	vst v63  }
0xb2: {  	s19 =	sadd.s32 $0x70, s16;
	s16 =	sadd.s32 $0x4000, s16;
	s17 =	smov.u32 s20  }
0xb3: {  	[hbm4b:s19+s3] =	stream.linear.scatter [tilespmem:s18], [sflag:$0x2], $0x80, $0x38;
	[tilespmem:$0x15400] =	vst v63  }
0xb4: {  	s17 =	sadd.s32 $0x11000, s15  }
0xb5: {  	[hbm4b:s16+s3] =	stream.linear.scatter [tilespmem:s17], [sflag:$0x2], $0x80, $0x38;
	[tilespmem:$0x15400] =	vst v63  }
0xb6: {  	s19 =	sadd.s32 $0x11088, s15;
	s20 =	sadd.s32 $0x10, s16  }
0xb7: {  	[hbm4b:s20+s3] =	stream.linear.scatter [tilespmem:s19], [sflag:$0x2], $0x80, $0x38;
	[tilespmem:$0x15400] =	vst v63  }
0xb8: {  	s19 =	sadd.s32 $0x11110, s15;
	s20 =	sadd.s32 $0x20, s16  }
0xb9: {  	[hbm4b:s20+s3] =	stream.linear.scatter [tilespmem:s19], [sflag:$0x2], $0x80, $0x38;
	[tilespmem:$0x15400] =	vst v63  }
0xba: {  	s19 =	sadd.s32 $0x11198, s15;
	s20 =	sadd.s32 $0x30, s16  }
0xbb: {  	[hbm4b:s20+s3] =	stream.linear.scatter [tilespmem:s19], [sflag:$0x2], $0x80, $0x38;
	[tilespmem:$0x15400] =	vst v63  }
0xbc: {  	s19 =	sadd.s32 $0x11220, s15;
	s20 =	sadd.s32 $0x40, s16  }
0xbd: {  	[hbm4b:s20+s3] =	stream.linear.scatter [tilespmem:s19], [sflag:$0x2], $0x80, $0x38;
	[tilespmem:$0x15400] =	vst v63  }
0xbe: {  	s19 =	sadd.s32 $0x112A8, s15;
	s20 =	sadd.s32 $0x50, s16  }
0xbf: {  	[hbm4b:s20+s3] =	stream.linear.scatter [tilespmem:s19], [sflag:$0x2], $0x80, $0x38;
	[tilespmem:$0x15400] =	vst v63  }
0xc0: {  	p0 =	sgt.u32 s10, $0xB;
	s19 =	sadd.s32 $0x11330, s15;
	s20 =	sadd.s32 $0x60, s16  }
0xc1: {  	[hbm4b:s20+s3] =	stream.linear.scatter [tilespmem:s19], [sflag:$0x2], $0x80, $0x38;
	[tilespmem:$0x15400] =	vst v63  }
0xc2: {  	s19 =	sadd.s32 $0x113B8, s15;
	s15 =	sshll.u32 @!p0 s10, $0x8  }
0xc3: {  	s20 =	sadd.s32 $0x70, s16;
	s15 =	sadd.s32 @!p0 $0x400, s15  }
0xc4: {  	[hbm4b:s20+s3] =	stream.linear.scatter [tilespmem:s19], [sflag:$0x2], $0x80, $0x38;
	[tilespmem:$0x15400] =	vst v63  }
0xc5: {  	s18 =	simm.s32 $0x3;
	s16 =	sshll.u32 @!p0 s10, $0xB;
	s15 =	sand.u32 @!p0 $0x1E00, s15  }
0xc6: {  	v36 =	vmov s18;
	s18 =	simm.s32 $0x6;
	s16 =	sand.u32 @!p0 $0x800, s16;
	s15 =	sshrl.u32 @!p0 s15, $0x2  }
0xc7: {  	s17 =	simm.s32 $0x2;
	s15 =	sor.u32 @!p0 s15, s16;
	s16 =	simm.s32 @!p0 $0x80  }
0xc8: {  	v40 =	vmov s18;
	v36 =	vshrl.u32 v36, $0x3;
	[tilespmem:s14], [sflag:$0x1] =	stream.indirect.gather @!p0 [hbm4b:s5+s16], $0x40, s15, s16, $0xb8;
	[tilespmem:$0x15400] =	vst v63  }
0xc9: {  	v35 =	vmov s17;
	s17 =	simm.s32 $0x5;
	v52 =	vshll.u32 v36, v1;
	v40 =	vshrl.u32 v40, $0x3;
	s20 =	simm.s32 $0x7;
	_ =	swait.ge [sflag:s24], $0x2000  }
0xca: {  	p1 =	slt.s32 s30, $0x1;
	v39 =	vmov s17;
	v35 =	vshrl.u32 v35, $0x3;
	v38 =	vmov s20;
	s15 =	simm.s32 $0x0;
	[sflag:s24] =	ssyncset.done $0x0  }
0xcb: {  	v51 =	vshll.u32 v35, v1;
	v38 =	vshrl.u32 v38, $0x3;
	s16 =	simm.s32 $0x1;
	v33 =	vmov s15;
	s15 =	simm.s32 @!p1 $0x2;
	[sflag:s24] =	ssyncadd.s32 $0xFFFFE000  }
0xcc: {  	v38 =	vshll.u32 v38, v1;
	v34 =	vmov s16;
	v33 =	vshrl.u32 v33, $0x3;
	_ =	swait.ge @!p1 [sflag:s15], $0x2000  }
0xcd: {  	v38 =	vbroadcast v38, $0x0;
	v34 =	vshrl.u32 v34, $0x3;
	v33 =	vshll.u32 v33, v1;
	[sflag:s15] =	ssyncset.done @!p1 $0x0  }
0xce: {  	v35 =	vbroadcast v52, $0x0;
	s19 =	simm.s32 $0x4;
	v34 =	vshll.u32 v34, v1;
	v33 =	vbroadcast v33, $0x0;
	[sflag:s15] =	ssyncadd.s32 @!p1 $0xFFFFE000  }
0xcf: {  	v37 =	vmov s19;
	v42 =	vadd.s32 v29, v38;
	v47 =	vbroadcast v34, $0x0;
	v41 =	vld [tilespmem:s12+$0xFFFFFFD0]  }
0xd0: {  	v53 =	vbroadcast v51, $0x0;
	v37 =	vshrl.u32 v37, $0x3;
	v44 =	vadd.s32 v0, v33;
	v43 =	vld [tilespmem:s12+$0xFFFFFE10]  }
0xd1: {  	v55 =	vshrl.u32 v39, $0x3;
	v54 =	vshll.u32 v37, v1;
	v46 =	vadd.s32 v5, v47;
	v45 =	vld [tilespmem:s12+$0xFFFFFE50]  }
0xd2: {  	v36 =	vshll.u32 v55, v1;
	v49 =	vadd.s32 v9, v53;
	v34 =	vbroadcast v54, $0x0;
	v48 =	vld [tilespmem:s12+$0xFFFFFE90]  }
0xd3: {  	v56 =	vshll.u32 v40, v1;
	v50 =	vadd.s32 v13, v35;
	v37 =	vbroadcast v36, $0x0;
	v39 =	vld [tilespmem:s12+$0xFFFFFED0]  }
0xd4: {  	v36 =	vbroadcast v56, $0x0;
	v52 =	vadd.s32 v17, v34;
	v51 =	vld [tilespmem:s12+$0xFFFFFF10];
	[tilespmem:v42+s26+$0x0] =	vst.idx.msk $0xffff, v41  }
0xd5: {  	v60 =	vadd.s32 v21, v37;
	v59 =	vld [tilespmem:s12+$0xFFFFFF50];
	[tilespmem:v44+s26+$0x0] =	vst.idx.msk $0xffff, v43  }
0xd6: {  	v62 =	vadd.s32 v25, v36;
	v61 =	vld [tilespmem:s12+$0xFFFFFF90];
	[tilespmem:v46+s26+$0x0] =	vst.idx.msk $0xffff, v45  }
0xd7: {  	v58 =	vadd.s32 v30, v38;
	[tilespmem:v49+s26+$0x0] =	vst.idx.msk $0xffff, v48;
	v57 =	vld [tilespmem:s12+$0xFFFFFFE0]  }
0xd8: {  	v63 =	vadd.s32 v6, v47;
	[tilespmem:v50+s26+$0x0] =	vst.idx.msk $0xffff, v39;
	v46 =	vld [tilespmem:s12+$0xFFFFFE60]  }
0xd9: {  	v55 =	vadd.s32 v10, v53;
	[tilespmem:v52+s26+$0x0] =	vst.idx.msk $0xffff, v51;
	v54 =	vld [tilespmem:s12+$0xFFFFFEA0]  }
0xda: {  	v56 =	vadd.s32 v14, v35;
	[tilespmem:v60+s26+$0x0] =	vst.idx.msk $0xffff, v59;
	v50 =	vld [tilespmem:s12+$0xFFFFFEE0]  }
0xdb: {  	[tilespmem:v62+s26+$0x0] =	vst.idx.msk $0xffff, v61;
	v45 =	vadd.s32 v22, v37;
	v44 =	vld [tilespmem:s12+$0xFFFFFF60]  }
0xdc: {  	v59 =	vadd.s32 v18, v34;
	[tilespmem:v58+s26+$0x0] =	vst.idx.msk $0xffff, v57;
	v58 =	vld [tilespmem:s12+$0xFFFFFF20]  }
0xdd: {  	v57 =	vadd.s32 v31, v38;
	[tilespmem:v63+s26+$0x0] =	vst.idx.msk $0xffff, v46;
	v40 =	vld [tilespmem:s12+$0xFFFFFFF0]  }
0xde: {  	v62 =	vadd.s32 v2, v33;
	v61 =	vld [tilespmem:s12+$0xFFFFFE20];
	[tilespmem:v55+s26+$0x0] =	vst.idx.msk $0xffff, v54  }
0xdf: {  	v60 =	vadd.s32 v26, v36;
	v63 =	vld [tilespmem:s12+$0xFFFFFFA0];
	[tilespmem:v56+s26+$0x0] =	vst.idx.msk $0xffff, v50  }
0xe0: {  	v51 =	vadd.s32 v7, v47;
	[tilespmem:v45+s26+$0x0] =	vst.idx.msk $0xffff, v44;
	v50 =	vld [tilespmem:s12+$0xFFFFFE70]  }
0xe1: {  	v56 =	vadd.s32 v11, v53;
	v55 =	vld [tilespmem:s12+$0xFFFFFEB0];
	[tilespmem:v59+s26+$0x0] =	vst.idx.msk $0xffff, v58  }
0xe2: {  	v58 =	vadd.s32 v15, v35;
	[tilespmem:v57+s26+$0x0] =	vst.idx.msk $0xffff, v40;
	v57 =	vld [tilespmem:s12+$0xFFFFFEF0]  }
0xe3: {  	v38 =	vadd.s32 v32, v38;
	[tilespmem:v62+s26+$0x0] =	vst.idx.msk $0xffff, v61;
	v52 =	vld [tilespmem:s12+$0x0]  }
0xe4: {  	[tilespmem:v60+s26+$0x0] =	vst.idx.msk $0xffff, v63;
	v60 =	vadd.s32 v19, v34;
	v59 =	vld [tilespmem:s12+$0xFFFFFF30]  }
0xe5: {  	s16 =	simm.s32 $0xB;
	s15 =	simm.s32 $0xA;
	v41 =	vadd.s32 v23, v37;
	v43 =	vadd.s32 v27, v36;
	[tilespmem:v51+s26+$0x0] =	vst.idx.msk $0xffff, v50;
	v40 =	vld [tilespmem:s12+$0xFFFFFF70]  }
0xe6: {  	s18 =	simm.s32 $0xC;
	s19 =	simm.s32 $0x8;
	v48 =	vadd.s32 v3, v33;
	v54 =	vmov s15;
	v44 =	vmov s16;
	v42 =	vld [tilespmem:s12+$0xFFFFFFB0];
	[tilespmem:v56+s26+$0x0] =	vst.idx.msk $0xffff, v55  }
0xe7: {  	s17 =	sor.u32 $0x1, s11;
	s20 =	simm.s32 $0x9;
	v46 =	vmov s18;
	v53 =	vadd.s32 v12, v53;
	v45 =	vld [tilespmem:s12+$0xFFFFFE30];
	v63 =	vmov s19;
	[tilespmem:v58+s26+$0x0] =	vst.idx.msk $0xffff, v57  }
0xe8: {  	s16 =	sand.u32 $0x3, s17;
	s19 =	simm.s32 $0xD;
	v39 =	vshrl.u32 v63, $0x3;
	v50 =	vmov s20;
	s20 =	simm.s32 $0xE;
	v49 =	vld [tilespmem:s12+$0xFFFFFE80];
	[tilespmem:v38+s26+$0x0] =	vst.idx.msk $0xffff, v52;
	v52 =	vadd.s32 v8, v47  }
0xe9: {  	s15 =	simm.s32 $0x10;
	s14 =	sor.u32 s4, s16;
	s16 =	simm.s32 $0xF;
	v51 =	vld [tilespmem:s12+$0xFFFFFEC0];
	[tilespmem:v60+s26+$0x0] =	vst.idx.msk $0xffff, v59;
	v38 =	vmov s19;
	v47 =	vshll.u32 v39, v1;
	v39 =	vmov s20  }
.LBB2_8:
0xea: {  	p1 =	slt.u32 s15, $0x78;
	v50 =	vshrl.u32 v50, $0x3;
	v55 =	vmov s16;
	v56 =	vld [tilespmem:s12+$0xFFFFFF00];
	v35 =	vadd.s32 v16, v35;
	[tilespmem:v41+s26+$0x0] =	vst.idx.msk $0xffff, v40  }
0xeb: {  	v40 =	vshrl.u32 v54, $0x3;
	v34 =	vadd.s32 v20, v34;
	v41 =	vshrl.u32 v55, $0x3;
	v54 =	vld [tilespmem:s12+$0xFFFFFF40];
	[tilespmem:v43+s26+$0x0] =	vst.idx.msk $0xffff, v42  }
0xec: {  	v37 =	vadd.s32 v24, v37;
	v42 =	vshrl.u32 v44, $0x3;
	v41 =	vshll.u32 v41, v1;
	[tilespmem:v48+s26+$0x0] =	vst.idx.msk $0xffff, v45;
	v43 =	vld [tilespmem:s12+$0xFFFFFF80]  }
0xed: {  	v36 =	vadd.s32 v28, v36;
	v44 =	vshrl.u32 v46, $0x3;
	v41 =	vbroadcast v41, $0x0;
	[tilespmem:v52+s26+$0x0] =	vst.idx.msk $0xffff, v49;
	v45 =	vld [tilespmem:s12+$0xFFFFFFC0]  }
0xee: {  	v46 =	vshll.u32 v50, v1;
	v49 =	vadd.s32 v4, v33;
	v33 =	vbroadcast v47, $0x0;
	v48 =	vld [tilespmem:s12+$0xFFFFFE40];
	[tilespmem:v53+s26+$0x0] =	vst.idx.msk $0xffff, v51;
	s12 =	sadd.s32 $0x200, s12  }
0xef: {  	v40 =	vshll.u32 v40, v1;
	v47 =	vbroadcast v46, $0x0;
	v46 =	vld [tilespmem:s12+$0xFFFFFFD0];
	v50 =	vadd.s32 v29, v41;
	[tilespmem:v35+s26+$0x0] =	vst.idx.msk $0xffff, v56  }
0xf0: {  	v53 =	vbroadcast v40, $0x0;
	v52 =	vadd.s32 v0, v33;
	v35 =	vshll.u32 v42, v1;
	v51 =	vld [tilespmem:s12+$0xFFFFFE10];
	[tilespmem:v34+s26+$0x0] =	vst.idx.msk $0xffff, v54  }
0xf1: {  	v42 =	vadd.s32 v5, v47;
	v35 =	vbroadcast v35, $0x0;
	v34 =	vshll.u32 v44, v1;
	v40 =	vld [tilespmem:s12+$0xFFFFFE50];
	[tilespmem:v37+s26+$0x0] =	vst.idx.msk $0xffff, v43  }
0xf2: {  	v44 =	vadd.s32 v9, v53;
	v34 =	vbroadcast v34, $0x0;
	v37 =	vshrl.u32 v38, $0x3;
	v43 =	vld [tilespmem:s12+$0xFFFFFE90];
	[tilespmem:v36+s26+$0x0] =	vst.idx.msk $0xffff, v45  }
0xf3: {  	v39 =	vshrl.u32 v39, $0x3;
	v45 =	vadd.s32 v13, v35;
	v36 =	vshll.u32 v37, v1;
	v38 =	vld [tilespmem:s12+$0xFFFFFED0];
	[tilespmem:v49+s26+$0x0] =	vst.idx.msk $0xffff, v48  }
0xf4: {  	v49 =	vadd.s32 v17, v34;
	v37 =	vbroadcast v36, $0x0;
	v36 =	vshll.u32 v39, v1;
	v48 =	vld [tilespmem:s12+$0xFFFFFF10];
	[tilespmem:v50+s26+$0x0] =	vst.idx.msk $0xffff, v46  }
0xf5: {  	v36 =	vbroadcast v36, $0x0;
	v46 =	vadd.s32 v30, v41;
	[tilespmem:v52+s26+$0x0] =	vst.idx.msk $0xffff, v51;
	v39 =	vld [tilespmem:s12+$0xFFFFFFE0]  }
0xf6: {  	[tilespmem:v42+s26+$0x0] =	vst.idx.msk $0xffff, v40;
	v40 =	vld [tilespmem:s12+$0xFFFFFF50];
	v42 =	vadd.s32 v21, v37  }
0xf7: {  	[tilespmem:v44+s26+$0x0] =	vst.idx.msk $0xffff, v43;
	v43 =	vld [tilespmem:s12+$0xFFFFFF90];
	v44 =	vadd.s32 v25, v36  }
0xf8: {  	v51 =	vadd.s32 v6, v47;
	v50 =	vld [tilespmem:s12+$0xFFFFFE60];
	[tilespmem:v45+s26+$0x0] =	vst.idx.msk $0xffff, v38  }
0xf9: {  	v45 =	vadd.s32 v10, v53;
	v38 =	vld [tilespmem:s12+$0xFFFFFEA0];
	[tilespmem:v49+s26+$0x0] =	vst.idx.msk $0xffff, v48  }
0xfa: {  	v49 =	vadd.s32 v14, v35;
	v48 =	vld [tilespmem:s12+$0xFFFFFEE0];
	[tilespmem:v46+s26+$0x0] =	vst.idx.msk $0xffff, v39  }
0xfb: {  	[tilespmem:v42+s26+$0x0] =	vst.idx.msk $0xffff, v40;
	v39 =	vld [tilespmem:s12+$0xFFFFFFF0];
	v40 =	vadd.s32 v31, v41  }
0xfc: {  	v46 =	vadd.s32 v18, v34;
	v42 =	vld [tilespmem:s12+$0xFFFFFF20];
	[tilespmem:v44+s26+$0x0] =	vst.idx.msk $0xffff, v43  }
0xfd: {  	v44 =	vadd.s32 v22, v37;
	[tilespmem:v51+s26+$0x0] =	vst.idx.msk $0xffff, v50;
	v43 =	vld [tilespmem:s12+$0xFFFFFF60]  }
0xfe: {  	[tilespmem:v45+s26+$0x0] =	vst.idx.msk $0xffff, v38;
	v38 =	vld [tilespmem:s12+$0xFFFFFFA0];
	v45 =	vadd.s32 v26, v36  }
0xff: {  	v51 =	vadd.s32 v2, v33;
	v50 =	vld [tilespmem:s12+$0xFFFFFE20];
	[tilespmem:v49+s26+$0x0] =	vst.idx.msk $0xffff, v48  }
0x100: {  	v49 =	vadd.s32 v7, v47;
	v48 =	vld [tilespmem:s12+$0xFFFFFE70];
	[tilespmem:v40+s26+$0x0] =	vst.idx.msk $0xffff, v39  }
0x101: {  	[tilespmem:v46+s26+$0x0] =	vst.idx.msk $0xffff, v42;
	v39 =	vld [tilespmem:s12+$0x0];
	v46 =	vadd.s32 v32, v41  }
0x102: {  	v55 =	vadd.s32 v11, v53;
	v52 =	vld [tilespmem:s12+$0xFFFFFEB0];
	[tilespmem:v44+s26+$0x0] =	vst.idx.msk $0xffff, v43  }
0x103: {  	v57 =	vadd.s32 v15, v35;
	v56 =	vld [tilespmem:s12+$0xFFFFFEF0];
	[tilespmem:v45+s26+$0x0] =	vst.idx.msk $0xffff, v38  }
0x104: {  	v59 =	vadd.s32 v19, v34;
	[tilespmem:v51+s26+$0x0] =	vst.idx.msk $0xffff, v50;
	v58 =	vld [tilespmem:s12+$0xFFFFFF30]  }
.Ltmp2:
0x105: {  	s16 =	sadd.s32 $0x1, s15;
	v41 =	vadd.s32 v23, v37;
	v38 =	vmov s15;
	[tilespmem:v49+s26+$0x0] =	vst.idx.msk $0xffff, v48;
	v40 =	vld [tilespmem:s12+$0xFFFFFF70];
	(pc) =	sbr.rel @p1 .LBB2_8-.Ltmp2, $4  }
0x106: {  	s17 =	sadd.s32 $0x3, s15;
	v43 =	vadd.s32 v27, v36;
	v51 =	vshrl.u32 v38, $0x3;
	v50 =	vmov s16;
	s16 =	sadd.s32 $0x2, s15;
	v42 =	vld [tilespmem:s12+$0xFFFFFFB0];
	[tilespmem:v46+s26+$0x0] =	vst.idx.msk $0xffff, v39  }
0x107: {  	v44 =	vmov s17;
	s17 =	sadd.s32 $0x5, s15;
	v54 =	vmov s16;
	s16 =	sadd.s32 $0x4, s15;
	v48 =	vadd.s32 v3, v33;
	v45 =	vld [tilespmem:s12+$0xFFFFFE30];
	[tilespmem:v55+s26+$0x0] =	vst.idx.msk $0xffff, v52  }
0x108: {  	v38 =	vmov s17;
	v46 =	vmov s16;
	s16 =	sadd.s32 $0x6, s15;
	v52 =	vadd.s32 v8, v47;
	v49 =	vld [tilespmem:s12+$0xFFFFFE80];
	[tilespmem:v57+s26+$0x0] =	vst.idx.msk $0xffff, v56  }
0x109: {  	v53 =	vadd.s32 v12, v53;
	v47 =	vshll.u32 v51, v1;
	v39 =	vmov s16;
	s16 =	sadd.s32 $0x7, s15;
	s15 =	sadd.s32 $0x8, s15;
	v51 =	vld [tilespmem:s12+$0xFFFFFEC0];
	[tilespmem:v59+s26+$0x0] =	vst.idx.msk $0xffff, v58  }
0x10a: {  	_ =	sdelay $0x2  }
0x10b: {  	v50 =	vshrl.u32 v50, $0x3  }
0x10c: {  	v55 =	vmov s16;
	v56 =	vld [tilespmem:s12+$0xFFFFFF00];
	v35 =	vadd.s32 v16, v35;
	[tilespmem:v41+s26+$0x0] =	vst.idx.msk $0xffff, v40;
	v57 =	vshrl.u32 v54, $0x3  }
0x10d: {  	v59 =	vld [tilespmem:s12+$0xFFFFFF40];
	v34 =	vadd.s32 v20, v34;
	v60 =	vshrl.u32 v44, $0x3;
	v58 =	vshrl.u32 v55, $0x3;
	[tilespmem:v43+s26+$0x0] =	vst.idx.msk $0xffff, v42  }
0x10e: {  	v37 =	vadd.s32 v24, v37;
	v62 =	vshrl.u32 v46, $0x3;
	v61 =	vld [tilespmem:s12+$0xFFFFFF80];
	v41 =	vshll.u32 v58, v1;
	[tilespmem:v48+s26+$0x0] =	vst.idx.msk $0xffff, v45  }
0x10f: {  	v36 =	vadd.s32 v28, v36;
	v46 =	vbroadcast v47, $0x0;
	v63 =	vld [tilespmem:s12+$0xFFFFFFC0];
	v41 =	vbroadcast v41, $0x0;
	[tilespmem:v52+s26+$0x0] =	vst.idx.msk $0xffff, v49  }
0x110: {  	v33 =	vadd.s32 v4, v33;
	s19 =	sadd.s32 $0x200, s12;
	v38 =	vshrl.u32 v38, $0x3;
	v55 =	vshll.u32 v50, v1;
	v48 =	vld [tilespmem:s12+$0xFFFFFE40];
	[tilespmem:v53+s26+$0x0] =	vst.idx.msk $0xffff, v51  }
0x111: {  	v40 =	vshll.u32 v57, v1;
	v47 =	vbroadcast v55, $0x0;
	v49 =	vld [tilespmem:s19+$0xFFFFFFD0];
	v50 =	vadd.s32 v29, v41;
	[tilespmem:v35+s26+$0x0] =	vst.idx.msk $0xffff, v56  }
0x112: {  	v42 =	vshll.u32 v60, v1;
	v40 =	vbroadcast v40, $0x0;
	v35 =	vld [tilespmem:s19+$0xFFFFFE10];
	v56 =	vadd.s32 v0, v46;
	[tilespmem:v34+s26+$0x0] =	vst.idx.msk $0xffff, v59  }
0x113: {  	v57 =	vld [tilespmem:s19+$0xFFFFFE50];
	v44 =	vshll.u32 v62, v1;
	v42 =	vbroadcast v42, $0x0;
	v58 =	vadd.s32 v5, v47;
	[tilespmem:v37+s26+$0x0] =	vst.idx.msk $0xffff, v61  }
0x114: {  	v38 =	vshll.u32 v38, v1;
	v44 =	vbroadcast v44, $0x0;
	v60 =	vadd.s32 v9, v40;
	v59 =	vld [tilespmem:s19+$0xFFFFFE90];
	[tilespmem:v36+s26+$0x0] =	vst.idx.msk $0xffff, v63  }
0x115: {  	v38 =	vbroadcast v38, $0x0;
	v62 =	vadd.s32 v13, v42;
	v61 =	vld [tilespmem:s19+$0xFFFFFED0];
	[tilespmem:v33+s26+$0x0] =	vst.idx.msk $0xffff, v48  }
0x116: {  	v39 =	vshrl.u32 v39, $0x3;
	v63 =	vadd.s32 v17, v44;
	v33 =	vld [tilespmem:s19+$0xFFFFFF10];
	[tilespmem:v50+s26+$0x0] =	vst.idx.msk $0xffff, v49  }
0x117: {  	v39 =	vshll.u32 v39, v1;
	v34 =	vld [tilespmem:s19+$0xFFFFFF50];
	[tilespmem:v56+s26+$0x0] =	vst.idx.msk $0xffff, v35;
	v56 =	vadd.s32 v21, v38  }
0x118: {  	[tilespmem:v58+s26+$0x0] =	vst.idx.msk $0xffff, v57;
	v35 =	vbroadcast v39, $0x0;
	v49 =	vadd.s32 v30, v41;
	v39 =	vld [tilespmem:s19+$0xFFFFFFE0]  }
0x119: {  	[tilespmem:v60+s26+$0x0] =	vst.idx.msk $0xffff, v59;
	v59 =	vld [tilespmem:s19+$0xFFFFFE60];
	v60 =	vadd.s32 v6, v47  }
0x11a: {  	v57 =	vld [tilespmem:s19+$0xFFFFFF90];
	[tilespmem:v62+s26+$0x0] =	vst.idx.msk $0xffff, v61;
	v58 =	vadd.s32 v25, v35  }
0x11b: {  	v61 =	vld [tilespmem:s19+$0xFFFFFEA0];
	v62 =	vadd.s32 v10, v40;
	[tilespmem:v63+s26+$0x0] =	vst.idx.msk $0xffff, v33  }
0x11c: {  	v33 =	vld [tilespmem:s19+$0xFFFFFEE0];
	v63 =	vadd.s32 v14, v42;
	[tilespmem:v56+s26+$0x0] =	vst.idx.msk $0xffff, v34  }
0x11d: {  	v56 =	vadd.s32 v18, v44;
	[tilespmem:v49+s26+$0x0] =	vst.idx.msk $0xffff, v39;
	v49 =	vld [tilespmem:s19+$0xFFFFFF20]  }
0x11e: {  	[tilespmem:v60+s26+$0x0] =	vst.idx.msk $0xffff, v59;
	v39 =	vadd.s32 v31, v41;
	v34 =	vld [tilespmem:s19+$0xFFFFFFF0]  }
0x11f: {  	[tilespmem:v58+s26+$0x0] =	vst.idx.msk $0xffff, v57;
	v57 =	vld [tilespmem:s19+$0xFFFFFF60];
	v58 =	vadd.s32 v22, v38  }
0x120: {  	[tilespmem:v62+s26+$0x0] =	vst.idx.msk $0xffff, v61;
	v61 =	vld [tilespmem:s19+$0xFFFFFE20];
	v62 =	vadd.s32 v2, v46  }
0x121: {  	v60 =	vadd.s32 v26, v35;
	v59 =	vld [tilespmem:s19+$0xFFFFFFA0];
	[tilespmem:v63+s26+$0x0] =	vst.idx.msk $0xffff, v33  }
0x122: {  	v55 =	vadd.s32 v11, v40;
	v54 =	vadd.s32 v32, v41;
	v41 =	vld [tilespmem:s19+$0xFFFFFEB0];
	[tilespmem:v56+s26+$0x0] =	vst.idx.msk $0xffff, v49  }
0x123: {  	v53 =	vadd.s32 v7, v47;
	v63 =	vld [tilespmem:s19+$0xFFFFFE70];
	[tilespmem:v39+s26+$0x0] =	vst.idx.msk $0xffff, v34  }
0x124: {  	v56 =	vld [tilespmem:s19+$0xFFFFFEF0];
	[tilespmem:v58+s26+$0x0] =	vst.idx.msk $0xffff, v57;
	v57 =	vadd.s32 v15, v42  }
0x125: {  	[tilespmem:v62+s26+$0x0] =	vst.idx.msk $0xffff, v61;
	v34 =	vld [tilespmem:s19+$0x0]  }
0x126: {  	v58 =	vld [tilespmem:s19+$0xFFFFFF30];
	[tilespmem:v60+s26+$0x0] =	vst.idx.msk $0xffff, v59;
	v59 =	vadd.s32 v19, v44  }
0x127: {  	v61 =	vadd.s32 v23, v38;
	[tilespmem:v55+s26+$0x0] =	vst.idx.msk $0xffff, v41;
	v60 =	vld [tilespmem:s19+$0xFFFFFF70]  }
0x128: {  	[tilespmem:v53+s26+$0x0] =	vst.idx.msk $0xffff, v63;
	v63 =	vadd.s32 v27, v35;
	v62 =	vld [tilespmem:s19+$0xFFFFFFB0]  }
0x129: {  	v47 =	vadd.s32 v8, v47;
	v55 =	vld [tilespmem:s19+$0xFFFFFE80];
	[tilespmem:v57+s26+$0x0] =	vst.idx.msk $0xffff, v56  }
0x12a: {  	v53 =	vld [tilespmem:s19+$0xFFFFFE30];
	[tilespmem:v54+s26+$0x0] =	vst.idx.msk $0xffff, v34;
	v54 =	vadd.s32 v3, v46  }
0x12b: {  	v40 =	vadd.s32 v12, v40;
	v56 =	vld [tilespmem:s19+$0xFFFFFEC0];
	[tilespmem:v59+s26+$0x0] =	vst.idx.msk $0xffff, v58  }
0x12c: {  	v42 =	vadd.s32 v16, v42;
	v57 =	vld [tilespmem:s19+$0xFFFFFF00];
	[tilespmem:v61+s26+$0x0] =	vst.idx.msk $0xffff, v60  }
0x12d: {  	v59 =	vadd.s32 v20, v44;
	v58 =	vld [tilespmem:s19+$0xFFFFFF40];
	[tilespmem:v63+s26+$0x0] =	vst.idx.msk $0xffff, v62  }
0x12e: {  	v38 =	vadd.s32 v24, v38;
	v60 =	vld [tilespmem:s19+$0xFFFFFF80];
	[tilespmem:v47+s26+$0x0] =	vst.idx.msk $0xffff, v55  }
0x12f: {  	v35 =	vadd.s32 v28, v35;
	v61 =	vld [tilespmem:s19+$0xFFFFFFC0];
	[tilespmem:v54+s26+$0x0] =	vst.idx.msk $0xffff, v53  }
0x130: {  	v63 =	vadd.s32 v4, v46;
	[tilespmem:v40+s26+$0x0] =	vst.idx.msk $0xffff, v56;
	v62 =	vld [tilespmem:s19+$0xFFFFFE40]  }
0x131: {  	[tilespmem:v42+s26+$0x0] =	vst.idx.msk $0xffff, v57  }
0x132: {  	[tilespmem:v59+s26+$0x0] =	vst.idx.msk $0xffff, v58  }
0x133: {  	[tilespmem:v38+s26+$0x0] =	vst.idx.msk $0xffff, v60  }
0x134: {  	s20 =	sshll.u32 s14, $0x7;
	[tilespmem:v35+s26+$0x0] =	vst.idx.msk $0xffff, v61  }
0x135: {  	s14 =	simm.s32 $0x13200;
	s13 =	sadd.s32 s20, s13;
	[tilespmem:v63+s26+$0x0] =	vst.idx.msk $0xffff, v62  }
0x136: {  	[hbm4b:s13+s3] =	stream.linear.scatter [tilespmem:s14], [sflag:$0x2], $0x80, $0x38;
	[tilespmem:$0x15400] =	vst v63  }
0x137: {  	s15 =	simm.s32 $0x13288;
	s16 =	sadd.s32 $0x10, s13  }
0x138: {  	[hbm4b:s16+s3] =	stream.linear.scatter [tilespmem:s15], [sflag:$0x2], $0x80, $0x38;
	[tilespmem:$0x15400] =	vst v63  }
0x139: {  	s17 =	simm.s32 $0x13310;
	s18 =	sadd.s32 $0x20, s13;
	s20 =	sadd.s32 $0x30, s13  }
0x13a: {  	[hbm4b:s18+s3] =	stream.linear.scatter [tilespmem:s17], [sflag:$0x2], $0x80, $0x38;
	[tilespmem:$0x15400] =	vst v63  }
0x13b: {  	s12 =	simm.s32 $0x440;
	s19 =	simm.s32 $0x13398;
	s14 =	simm.s32 $0x2200  }
0x13c: {  	[hbm4b:s20+s3] =	stream.linear.scatter [tilespmem:s19], [sflag:$0x2], $0x80, $0x38;
	[tilespmem:$0x15400] =	vst v63  }
0x13d: {  	s15 =	simm.s32 $0x13420;
	s16 =	sadd.s32 $0x40, s13;
	s17 =	simm.s32 $0x134A8  }
0x13e: {  	[hbm4b:s16+s3] =	stream.linear.scatter [tilespmem:s15], [sflag:$0x2], $0x80, $0x38;
	[tilespmem:$0x15400] =	vst v63  }
0x13f: {  	s18 =	sadd.s32 $0x50, s13;
	s19 =	simm.s32 $0x13530;
	s20 =	sadd.s32 $0x60, s13  }
0x140: {  	[hbm4b:s18+s3] =	stream.linear.scatter [tilespmem:s17], [sflag:$0x2], $0x80, $0x38;
	[tilespmem:$0x15400] =	vst v63  }
0x141: {  	s15 =	simm.s32 $0x135B8;
	s16 =	sadd.s32 $0x70, s13;
	s13 =	sadd.s32 $0x4000, s13  }
0x142: {  	[hbm4b:s20+s3] =	stream.linear.scatter [tilespmem:s19], [sflag:$0x2], $0x80, $0x38;
	[tilespmem:$0x15400] =	vst v63  }
.LBB2_10:
0x143: {  	[hbm4b:s16+s3] =	stream.linear.scatter [tilespmem:s15], [sflag:$0x2], $0x80, $0x38;
	[tilespmem:$0x15400] =	vst v63  }
0x144: {  	s15 =	smov.u32 s12;
	s12 =	smov.u32 s14  }
0x145: {  	s17 =	sadd.s32 $0x1100, s14;
	s12 =	sshra.s32 s12, $0x2;
	s16 =	sadd.s32 $0x13200, s15  }
0x146: {  	[hbm4b:s13+s3] =	stream.linear.scatter [tilespmem:s16], [sflag:$0x2], $0x80, $0x38;
	[tilespmem:$0x15400] =	vst v63  }
0x147: {  	p1 =	sne.s32 s14, $0x7700;
	s14 =	sadd.s32 $0x13288, s15;
	s16 =	sadd.s32 $0x10, s13  }
0x148: {  	[hbm4b:s16+s3] =	stream.linear.scatter [tilespmem:s14], [sflag:$0x2], $0x80, $0x38;
	[tilespmem:$0x15400] =	vst v63  }
0x149: {  	s14 =	sadd.s32 $0x13310, s15;
	s16 =	sadd.s32 $0x20, s13  }
0x14a: {  	[hbm4b:s16+s3] =	stream.linear.scatter [tilespmem:s14], [sflag:$0x2], $0x80, $0x38;
	[tilespmem:$0x15400] =	vst v63  }
0x14b: {  	s14 =	sadd.s32 $0x13398, s15;
	s16 =	sadd.s32 $0x30, s13  }
0x14c: {  	[hbm4b:s16+s3] =	stream.linear.scatter [tilespmem:s14], [sflag:$0x2], $0x80, $0x38;
	[tilespmem:$0x15400] =	vst v63  }
0x14d: {  	s14 =	sadd.s32 $0x13420, s15;
	s16 =	sadd.s32 $0x40, s13  }
0x14e: {  	[hbm4b:s16+s3] =	stream.linear.scatter [tilespmem:s14], [sflag:$0x2], $0x80, $0x38;
	[tilespmem:$0x15400] =	vst v63  }
.Ltmp3:
0x14f: {  	s14 =	sadd.s32 $0x134A8, s15;
	s16 =	sadd.s32 $0x50, s13;
	(pc) =	sbr.rel @p1 .LBB2_10-.Ltmp3, $4  }
0x150: {  	[hbm4b:s16+s3] =	stream.linear.scatter [tilespmem:s14], [sflag:$0x2], $0x80, $0x38;
	[tilespmem:$0x15400] =	vst v63  }
0x151: {  	s14 =	sadd.s32 $0x13530, s15;
	s16 =	sadd.s32 $0x60, s13;
	s15 =	sadd.s32 $0x135B8, s15  }
0x152: {  	[hbm4b:s16+s3] =	stream.linear.scatter [tilespmem:s14], [sflag:$0x2], $0x80, $0x38;
	[tilespmem:$0x15400] =	vst v63  }
0x153: {  	s16 =	sadd.s32 $0x70, s13;
	s13 =	sadd.s32 $0x4000, s13;
	s14 =	smov.u32 s17  }
0x154: {  	[hbm4b:s16+s3] =	stream.linear.scatter [tilespmem:s15], [sflag:$0x2], $0x80, $0x38;
	[tilespmem:$0x15400] =	vst v63  }
0x155: {  	s14 =	sadd.s32 $0x13200, s12;
	s19 =	sadd.s32 $0x13288, s12  }
0x156: {  	[hbm4b:s13+s3] =	stream.linear.scatter [tilespmem:s14], [sflag:$0x2], $0x80, $0x38;
	[tilespmem:$0x15400] =	vst v63  }
0x157: {  	s20 =	sadd.s32 $0x10, s13;
	s15 =	sadd.s32 $0x13310, s12;
	s16 =	sadd.s32 $0x20, s13  }
0x158: {  	[hbm4b:s20+s3] =	stream.linear.scatter [tilespmem:s19], [sflag:$0x2], $0x80, $0x38;
	[tilespmem:$0x15400] =	vst v63  }
0x159: {  	s17 =	sadd.s32 $0x13398, s12;
	s18 =	sadd.s32 $0x30, s13;
	s11 =	sadd.s32 @!p0 $0x9, s11  }
0x15a: {  	[hbm4b:s16+s3] =	stream.linear.scatter [tilespmem:s15], [sflag:$0x2], $0x80, $0x38;
	[tilespmem:$0x15400] =	vst v63  }
0x15b: {  	s10 =	sadd.s32 $0x1, s10;
	s19 =	sadd.s32 $0x13420, s12;
	s20 =	sadd.s32 $0x40, s13  }
0x15c: {  	[hbm4b:s18+s3] =	stream.linear.scatter [tilespmem:s17], [sflag:$0x2], $0x80, $0x38;
	[tilespmem:$0x15400] =	vst v63  }
0x15d: {  	s15 =	sadd.s32 $0x134A8, s12;
	s16 =	sadd.s32 $0x50, s13;
	s17 =	sadd.s32 $0x13530, s12  }
0x15e: {  	[hbm4b:s20+s3] =	stream.linear.scatter [tilespmem:s19], [sflag:$0x2], $0x80, $0x38;
	[tilespmem:$0x15400] =	vst v63  }
0x15f: {  	s18 =	sadd.s32 $0x60, s13;
	s19 =	sadd.s32 $0x135B8, s12;
	s20 =	sadd.s32 $0x70, s13  }
0x160: {  	[hbm4b:s16+s3] =	stream.linear.scatter [tilespmem:s15], [sflag:$0x2], $0x80, $0x38;
	[tilespmem:$0x15400] =	vst v63  }
0x161: {  	s12 =	sshll.u32 @!p0 s11, $0xD;
	s13 =	sshll.u32 @!p0 s11, $0xA;
	s11 =	sshll.u32 @!p0 s11, $0x5  }
0x162: {  	[hbm4b:s18+s3] =	stream.linear.scatter [tilespmem:s17], [sflag:$0x2], $0x80, $0x38;
	[tilespmem:$0x15400] =	vst v63  }
0x163: {  	s12 =	sand.u32 @!p0 $0xE000, s12;
	s13 =	sand.u32 @!p0 $0xC00, s13;
	s11 =	sand.u32 @!p0 $0x780, s11  }
0x164: {  	[hbm4b:s20+s3] =	stream.linear.scatter [tilespmem:s19], [sflag:$0x2], $0x80, $0x38;
	[tilespmem:$0x15400] =	vst v63  }
0x165: {  	s12 =	sor.u32 @!p0 $0x1000, s12;
	s11 =	sadd.s32 @!p0 s11, s13;
	s13 =	simm.s32 @!p0 $0x80  }
0x166: {  	[tilespmem:s12], [sflag:$0x1] =	stream.indirect.gather @!p0 [hbm4b:s5+s13], $0x40, s11, s13, $0xb8;
	[tilespmem:$0x15400] =	vst v63  }
0x167: {  	p0 =	sne.s32 s10, $0x10  }
.Ltmp4:
0x168: {  	_ = 	snop;
	(pc) =	sbr.rel @p0 .LBB2_3-.Ltmp4, $2  }
0x169: {  	_ =	sdelay $0x2  }
0x16a: {  	s30 =	sadd.s32 $0x2, s30;
	s28 =	sadd.s32 $0x1, s28;
	s7 =	sadd.s32 $0x2, s7  }
0x16b: {  	s31 =	sadd.s32 $0x1, s31  }
0x16c: {  	p0 =	sne.s32 s31, $0x19  }
.Ltmp5:
0x16d: {  	_ = 	snop;
	(pc) =	sbr.rel @p0 .LBB2_2-.Ltmp5, $2  }
0x16e: {  	_ =	sdelay $0x2  }
0x16f: {  	s29 =	sadd.s32 $0x20, s29  }
0x170: {  	s2 =	simm.s32 $0x2  }
0x171: {  	_ =	swait.ge [sflag:s2], $0x2000  }
0x172: {  	[sflag:s2] =	ssyncset.done $0x0  }
0x173: {  	[sflag:s2] =	ssyncadd.s32 $0xFFFFE000  }
0x174: {  	_ =	swait.ge [sflag:s2], $0x2000  }
0x175: {  	s7 =	rddreg [dreg:$0x5]  }
0x176: {  	s0 =	rddreg [dreg:$0x4];
	s7 =	sadd.s32 $0x1, s7  }
0x177: {  	p0 =	sne.s32 s7, s0  }
.Ltmp6:
0x178: {  	_ = 	snop;
	(pc) =	sbr.rel @p0 .LBB2_1-.Ltmp6, $3  }
0x179: {  	_ =	sdelay $0x1  }
0x17a: {  	[sflag:s2] =	ssyncset.done $0x0  }
0x17b: {  	[sflag:s2] =	ssyncadd.s32 $0xFFFFE000  }
0x17c: {  	_ =	sfence.sel $0x180000  }
0x17d: {  	[bflag:$0x0] =	sbarrier.arrive $0xFFFF  }
0x17e: {  	_ =	strace $0x90000047  }
0x17f: {  	s0 =	stileid.u32;
	[bflag:$0x2] =	sbarrier.arrive $0xFFFF  }
0x180: {  	p0 =	sne.s32 s0, $0x0;
	s0 =	rddreg [dreg:$0x3]  }
0x181: {  	s0 =	sadd.s32 @!p0 $0x100000, s0  }
0x182: {  	[sflag:s0] =	ssyncadd.tile.s32 @!p0 $0x1;
	_ =	shalt  }
.Lfunc_end2:
_tile_overlayer_lowered:
.L_overlay_start_2:
0x183: {  	(tag) =	ssettag $0x2  }
0x184: {  	s0 =	rddreg [dreg:$0x0];
	s2 =	stileid.u32  }
0x185: {  	s1 =	rddreg [dreg:$0x1];
	p0 =	sne.s32 s2, $0x0  }
0x186: {  	s3 =	rddreg [dreg:$0x2];
	[bflag:$0x3] =	sbarrier.arrive $0xFFFF;
	s2 =	simm.s32 @!p0 $0x1C03  }
0x187: {  	[timem:s3], [sflag:s2] =	dma.local @!p0 [hbm:s0], s1  }
0x188: {  	s0 =	simm.s32 @!p0 $0x3  }
0x189: {  	_ =	swait.ge @!p0 [sflag:s0], s1  }
0x18a: {  	s1 =	ssub.s32 @!p0 $0x0, s1;
	[sflag:s0] =	ssyncset.done @!p0 $0x0  }
0x18b: {  	[sflag:s0] =	ssyncadd.s32 @!p0 s1  }
0x18c: {  	[bflag:$0x3] =	sbarrier.arrive $0xFFFF  }
0x18d: {  	_ =	shalt  }

</sc_bundles>
